<compile_context>
chip_gen: v7x
topology: tpu7x:2x2x1
jax: 0.10.2.dev20260603
libtpu: 0.0.44.dev20260713+nightly
codegen_flags: <defaults>
</compile_context>

<pallas_src>
import functools

import jax
import jax.numpy as jnp
import numpy as np
from jax import lax
from jax.experimental import pallas as pl
from jax.experimental.pallas import tpu as pltpu
from jax.experimental.pallas import tpu_sc as plsc

_HID = 8
_STEPS = 3
_NG = 64
_PK = 8

_R8 = np.kron(np.eye(_HID), np.ones((1, _HID))).astype(np.float32)
_F8 = np.kron(np.ones((_HID, 1)), np.eye(_HID)).astype(np.float32)
_RBD = np.kron(np.eye(_PK), _R8).astype(np.float32)
_FBD = np.kron(np.eye(_PK), _F8).astype(np.float32)



def _pre_body(x_ref, wp_ref, bp_ref, o_ref):
    o_ref[...] = jnp.maximum(
        jnp.dot(x_ref[...], wp_ref[...],
                preferred_element_type=jnp.float32) + bp_ref[...], 0.0)


def _msg_body(ea_ref, hs_ref, w1_ref, b1_ref, w2_ref, b2_ref, r_ref, f_ref,
              o_ref):
    eh = jnp.maximum(
        jnp.dot(ea_ref[...], w1_ref[...],
                preferred_element_type=jnp.float32) + b1_ref[...], 0.0)
    ew = jnp.dot(eh, w2_ref[...],
                 preferred_element_type=jnp.float32) + b2_ref[...]
    hrep = jnp.dot(hs_ref[...], r_ref[...],
                   preferred_element_type=jnp.float32)
    o_ref[...] = jnp.dot(hrep * ew, f_ref[...],
                         preferred_element_type=jnp.float32)


def _node_body(aggp_ref, h_ref, wr_ref, bc_ref, wih_ref, bih_ref,
               whh_ref, bhh_ref, o_ref):
    agg = aggp_ref[0] + aggp_ref[1]
    h = h_ref[...]
    m = jnp.maximum(
        agg + jnp.dot(h, wr_ref[...], preferred_element_type=jnp.float32)
        + bc_ref[...], 0.0)
    gi = jnp.dot(m, wih_ref[...], preferred_element_type=jnp.float32) \
        + bih_ref[...]
    gh = jnp.dot(h, whh_ref[...], preferred_element_type=jnp.float32) \
        + bhh_ref[...]
    r = jax.nn.sigmoid(gi[:, 0:_HID] + gh[:, 0:_HID])
    z = jax.nn.sigmoid(gi[:, _HID:2 * _HID] + gh[:, _HID:2 * _HID])
    n = jnp.tanh(gi[:, 2 * _HID:] + r * gh[:, 2 * _HID:])
    o_ref[...] = (1.0 - z) * n + z * h


def _read_body(h_ref, b_ref, w1_ref, b1_ref, w2_ref, b2_ref, wp_ref, bp_ref,
               o_ref):
    h = h_ref[...]
    nf = jnp.maximum(
        jnp.dot(h, w1_ref[...], preferred_element_type=jnp.float32)
        + b1_ref[...], 0.0)
    nf = jnp.dot(nf, w2_ref[...], preferred_element_type=jnp.float32) \
        + b2_ref[...]
    n = h.shape[0]
    oh = (b_ref[...] == lax.broadcasted_iota(jnp.int32, (n, _NG), 1)
          ).astype(jnp.float32)
    dn = (((0,), (0,)), ((), ()))
    sums = lax.dot_general(oh, nf, dn, preferred_element_type=jnp.float32)
    counts = lax.dot_general(oh, jnp.ones((n, 1), jnp.float32), dn,
                             preferred_element_type=jnp.float32)
    g = sums / jnp.maximum(counts, 1.0)
    o_ref[...] = jnp.dot(g, wp_ref[...],
                         preferred_element_type=jnp.float32) + bp_ref[...]



def _make_sc_gather(n, e, nc, ns):
    nw = nc * ns
    bpw = e // nw
    mesh = plsc.VectorSubcoreMesh(core_axis_name="c", subcore_axis_name="s")

    @functools.partial(
        pl.kernel, mesh=mesh,
        out_type=jax.ShapeDtypeStruct((e, _HID), jnp.float32),
        scratch_types=[
            pltpu.VMEM((bpw,), jnp.int32),
            pltpu.VMEM((bpw, _HID), jnp.float32),
            pltpu.VMEM_SHARED((n, _HID), jnp.float32),
            pltpu.SemaphoreType.DMA,
        ],
        compiler_params=pltpu.CompilerParams(use_tc_tiling_on_sc=False),
    )
    def sc_gather(h_hbm, src_hbm, out_hbm, idx_v, rows_v, h_sh, sem):
        cid = lax.axis_index("c")
        sid = lax.axis_index("s")
        wid = sid * nc + cid
        base = wid * bpw

        @pl.when(sid == 0)
        def _():
            pltpu.sync_copy(h_hbm, h_sh)

        pltpu.sync_copy(src_hbm.at[pl.ds(base, bpw)], idx_v)
        plsc.subcore_barrier()
        pltpu.async_copy(h_sh.at[idx_v], rows_v, sem).wait()
        pltpu.sync_copy(rows_v, out_hbm.at[pl.ds(base, bpw)])

    return sc_gather


def _make_sc_scatter(n, e, nc, ns):
    nw = nc * ns
    bpw = e // nw
    mesh = plsc.VectorSubcoreMesh(core_axis_name="c", subcore_axis_name="s")

    @functools.partial(
        pl.kernel, mesh=mesh,
        out_type=jax.ShapeDtypeStruct((nc, n, _HID), jnp.float32),
        scratch_types=[
            pltpu.VMEM((bpw,), jnp.int32),
            pltpu.VMEM((bpw, _HID), jnp.float32),
            pltpu.VMEM_SHARED((n, _HID), jnp.float32),
        ],
        compiler_params=pltpu.CompilerParams(use_tc_tiling_on_sc=False),
    )
    def sc_scatter(msg_hbm, dst_hbm, zeros_hbm, out_hbm, idx_v, msg_v,
                   agg_sh):
        cid = lax.axis_index("c")
        sid = lax.axis_index("s")
        wid = sid * nc + cid
        base = wid * bpw

        @pl.when(sid == 0)
        def _():
            pltpu.sync_copy(zeros_hbm, agg_sh)

        plsc.subcore_barrier()
        pltpu.sync_copy(dst_hbm.at[pl.ds(base, bpw)], idx_v)
        pltpu.sync_copy(msg_hbm.at[pl.ds(base, bpw)], msg_v)
        pltpu.sync_copy(msg_v, agg_sh.at[idx_v], add=True)
        plsc.subcore_barrier()

        @pl.when(sid == 0)
        def _():
            pltpu.sync_copy(agg_sh, out_hbm.at[cid])

    return sc_scatter



def kernel(x, edge_index, edge_attr, batch, W_proj, b_proj, W_e1, b_e1,
           W_e2, b_e2, W_root, b_conv, W_gru_ih, b_gru_ih, W_gru_hh,
           b_gru_hh, W_r1, b_r1, W_r2, b_r2, W_p, b_p):
    n, df = x.shape
    e = edge_attr.shape[0]
    de = edge_attr.shape[1]
    src = edge_index[0].astype(jnp.int32)
    dst = edge_index[1].astype(jnp.int32)

    info = plsc.get_sparse_core_info()
    nc, ns = info.num_cores, info.num_subcores
    sc_gather = _make_sc_gather(n, e, nc, ns)
    sc_scatter = _make_sc_scatter(n, e, nc, ns)

    h = pl.pallas_call(
        _pre_body,
        out_shape=jax.ShapeDtypeStruct((n, _HID), jnp.float32),
    )(x, W_proj, b_proj.reshape(1, _HID))

    rows = e // _PK
    rb = 2000
    grid = rows // rb
    msg_call = pl.pallas_call(
        _msg_body,
        grid=(grid,),
        in_specs=[
            pl.BlockSpec((rb, _PK * de), lambda i: (i, 0)),
            pl.BlockSpec((rb, _PK * _HID), lambda i: (i, 0)),
            pl.BlockSpec((_PK * de, _PK * 16), lambda i: (0, 0)),
            pl.BlockSpec((1, _PK * 16), lambda i: (0, 0)),
            pl.BlockSpec((_PK * 16, _PK * 64), lambda i: (0, 0)),
            pl.BlockSpec((1, _PK * 64), lambda i: (0, 0)),
            pl.BlockSpec((_PK * _HID, _PK * 64), lambda i: (0, 0)),
            pl.BlockSpec((_PK * 64, _PK * _HID), lambda i: (0, 0)),
        ],
        out_specs=pl.BlockSpec((rb, _PK * _HID), lambda i: (i, 0)),
        out_shape=jax.ShapeDtypeStruct((rows, _PK * _HID), jnp.float32),
    )
    w1bd = jnp.kron(jnp.eye(_PK, dtype=jnp.float32), W_e1)
    b1t = jnp.tile(b_e1, _PK).reshape(1, _PK * 16)
    w2bd = jnp.kron(jnp.eye(_PK, dtype=jnp.float32), W_e2)
    b2t = jnp.tile(b_e2, _PK).reshape(1, _PK * 64)
    rbd = jnp.asarray(_RBD)
    fbd = jnp.asarray(_FBD)
    ea_p = edge_attr.reshape(rows, _PK * de)
    node_call = pl.pallas_call(
        _node_body,
        out_shape=jax.ShapeDtypeStruct((n, _HID), jnp.float32),
    )

    zeros = jnp.zeros((n, _HID), jnp.float32)
    for _ in range(_STEPS):
        h_src = sc_gather(h, src)
        msg_p = msg_call(ea_p, h_src.reshape(rows, _PK * _HID), w1bd, b1t,
                         w2bd, b2t, rbd, fbd)
        aggp = sc_scatter(msg_p.reshape(e, _HID), dst, zeros)
        h = node_call(aggp, h, W_root, b_conv.reshape(1, _HID),
                      W_gru_ih, b_gru_ih.reshape(1, 3 * _HID),
                      W_gru_hh, b_gru_hh.reshape(1, 3 * _HID))

    out = pl.pallas_call(
        _read_body,
        out_shape=jax.ShapeDtypeStruct((_NG, 1), jnp.float32),
    )(h, batch.astype(jnp.int32).reshape(n, 1), W_r1, b_r1.reshape(1, _HID),
      W_r2, b_r2.reshape(1, _HID), W_p, b_p.reshape(1, 1))
    return out

# --- scband reference (transcript-rebuilt; emitter-appended) ---
"""Pipeline reference for scband-mpnn-8538394985124 (READ-ONLY COPY).

The authoritative reference and input builder live on the scoring server;
editing this copy changes nothing except your own understanding.
"""

import jax, jax.numpy as jnp
import numpy as np

HID = 8
STEPS = 3
NG = 64

def setup_inputs(seed: int = 0) -> dict:
    key = jax.random.key(seed)
    k = lambda i: jax.random.fold_in(key, i)
    N, E, DF, DE = 10000, 320000, 128, 16
    inp = {}
    inp["x"] = jax.random.normal(k(0), (N, DF), dtype=jnp.float32)
    inp["edge_index"] = jax.random.randint(k(1), (2, E), 0, N)
    inp["edge_attr"] = jax.random.normal(k(2), (E, DE), dtype=jnp.float32)
    inp["batch"] = jnp.sort(jax.random.randint(k(3), (N,), 0, NG))
    def p(i, shape):
        return 0.1 * jax.random.normal(k(10 + i), shape, dtype=jnp.float32)
    inp["W_proj"] = p(0, (DF, HID)); inp["b_proj"] = p(1, (HID,))
    inp["W_e1"] = p(2, (DE, 16)); inp["b_e1"] = p(3, (16,))
    inp["W_e2"] = p(4, (16, HID * HID)); inp["b_e2"] = p(5, (HID * HID,))
    inp["W_root"] = p(6, (HID, HID)); inp["b_conv"] = p(7, (HID,))
    inp["W_gru_ih"] = p(8, (HID, 3 * HID)); inp["b_gru_ih"] = p(9, (3 * HID,))
    inp["W_gru_hh"] = p(10, (HID, 3 * HID)); inp["b_gru_hh"] = p(11, (3 * HID,))
    inp["W_r1"] = p(12, (HID, 8)); inp["b_r1"] = p(13, (8,))
    inp["W_r2"] = p(14, (8, 8)); inp["b_r2"] = p(15, (8,))
    inp["W_p"] = p(16, (8, 1)); inp["b_p"] = p(17, (1,))
    return inp

def _forward(x, edge_attr, W_proj, b_proj, W_e1, b_e1, W_e2, b_e2, W_root, b_conv, W_gru_ih, b_gru_ih, W_gru_hh, b_gru_hh, W_r1, b_r1, W_r2, b_r2, W_p, b_p, edge_index, batch):
    N = x.shape[0]
    src = edge_index[0]
    dst = edge_index[1]
    # MPNNGNN: project node feats, then NNConv + GRU message passing
    h = jax.nn.relu(x @ W_proj + b_proj)
    hidden = h
    # edge network (shared across steps): edge_attr -> [E, HID, HID] weight matrices
    e_h = jax.nn.relu(edge_attr @ W_e1 + b_e1)
    e_w = (e_h @ W_e2 + b_e2).reshape(-1, HID, HID)
    for _ in range(STEPS):
        msg = jnp.einsum('ei,eio->eo', h[src], e_w)
        agg = jax.ops.segment_sum(msg, dst, num_segments=N)
        m = jax.nn.relu(agg + h @ W_root + b_conv)
        # single-step GRU (seq_len=1)
        gi = m @ W_gru_ih + b_gru_ih
        gh = hidden @ W_gru_hh + b_gru_hh
        i_r, i_z, i_n = jnp.split(gi, 3, axis=-1)
        h_r, h_z, h_n = jnp.split(gh, 3, axis=-1)
        r = jax.nn.sigmoid(i_r + h_r)
        z = jax.nn.sigmoid(i_z + h_z)
        n = jnp.tanh(i_n + r * h_n)
        hidden = (1.0 - z) * n + z * hidden
        h = hidden
    # MLPReadout: node MLP (dropout inactive in eval) + mean pooling per graph
    nf = jax.nn.relu(h @ W_r1 + b_r1)
    nf = nf @ W_r2 + b_r2
    sums = jax.ops.segment_sum(nf, batch, num_segments=NG)
    counts = jax.ops.segment_sum(jnp.ones((N, 1), dtype=nf.dtype), batch, num_segments=NG)
    g = sums / jnp.clip(counts, 1.0)
    return g @ W_p + b_p

def reference(x, edge_index, edge_attr, batch, W_proj, b_proj, W_e1, b_e1, W_e2, b_e2, W_root, b_conv, W_gru_ih, b_gru_ih, W_gru_hh, b_gru_hh, W_r1, b_r1, W_r2, b_r2, W_p, b_p):
    return _forward(x, edge_attr, W_proj, b_proj, W_e1, b_e1, W_e2, b_e2, W_root, b_conv, W_gru_ih, b_gru_ih, W_gru_hh, b_gru_hh, W_r1, b_r1, W_r2, b_r2, W_p, b_p, edge_index, batch)

if __name__ == "__main__":
    import jax
    _d = setup_inputs()
    print(jax.jit(kernel)(*tuple(_d.values())))

</pallas_src>

<mosaic_0001>
#map = affine_map<(d0, d1) -> (0, 0)>
#map1 = affine_map<(d0, d1) -> (0)>
module attributes {stable_mosaic.version = 14 : i64} {
  func.func @sc_gather(%arg0: i32, %arg1: i32, %arg2: memref<10000x8xf32, #tpu.memory_space<hbm>>, %arg3: memref<320000xi32, #tpu.memory_space<hbm>>, %arg4: memref<320000x8xf32, #tpu.memory_space<hbm>>, %arg5: memref<10000xi32, #tpu.memory_space<vmem>>, %arg6: memref<10000x8xf32, #tpu.memory_space<vmem>>, %arg7: memref<10000x8xf32, #tpu.memory_space<vmem_shared>>, %arg8: memref<!tpu.dma_semaphore, #tpu.memory_space<semaphore_mem>>) attributes {dimension_semantics = [#tpu.dimension_semantics<core_parallel>, #tpu.dimension_semantics<subcore_parallel>], iteration_bounds = array<i64: 2, 16>, scalar_prefetch = 0 : i64, scratch_operands = 4 : i64, tpu.core_type = #tpu.core_type<sc_vector_subcore>, window_params = [{transform_indices = #map}, {transform_indices = #map1}, {transform_indices = #map}]} {
    %mul3A = arith.constant 2 : i32
    %mul3A_0 = arith.muli %arg1, %mul3A : i32
    %add3A = arith.addi %mul3A_0, %arg0 : i32
    %mul3A_1 = arith.constant 10000 : i32
    %mul3A_2 = arith.muli %add3A, %mul3A_1 : i32
    %eq3A = arith.constant 0 : i32
    %eq3A_3 = arith.cmpi eq, %arg1, %eq3A : i32
    %convert_element_type3A = arith.extui %eq3A_3 : i1 to i32
    %cond3A = arith.constant 0 : i32
    %cond3A_4 = arith.cmpi ne, %convert_element_type3A, %cond3A : i32
    scf.if %cond3A_4 {
      "tpu.region"() ({
        %run_scoped3A = tpu.sem_alloc : memref<!tpu.dma_semaphore, #tpu.memory_space<semaphore_mem>>
        tpu.enqueue_dma source(%arg2 : memref<10000x8xf32, #tpu.memory_space<hbm>>) target(%arg7 : memref<10000x8xf32, #tpu.memory_space<vmem_shared>>) target_semaphore(%run_scoped3A : memref<!tpu.dma_semaphore, #tpu.memory_space<semaphore_mem>>)
        tpu.wait_dma2 semaphore(%run_scoped3A : memref<!tpu.dma_semaphore, #tpu.memory_space<semaphore_mem>>) src(%arg2 : memref<10000x8xf32, #tpu.memory_space<hbm>>) dst(%arg7 : memref<10000x8xf32, #tpu.memory_space<vmem_shared>>)
        tpu.yield
      }) : () -> ()
    } else {
    }
    "tpu.region"() ({
      %run_scoped3A = tpu.sem_alloc : memref<!tpu.dma_semaphore, #tpu.memory_space<semaphore_mem>>
      %dma_start3A_9 = tpu.memref_slice %arg3[%mul3A_2] : memref<320000xi32, #tpu.memory_space<hbm>> -> memref<10000xi32, #tpu.memory_space<hbm>>
      %dma_start3A_10 = tpu.memref_slice %arg3[%mul3A_2] : memref<320000xi32, #tpu.memory_space<hbm>> -> memref<10000xi32, #tpu.memory_space<hbm>>
      tpu.enqueue_dma source(%dma_start3A_10 : memref<10000xi32, #tpu.memory_space<hbm>>) target(%arg5 : memref<10000xi32, #tpu.memory_space<vmem>>) target_semaphore(%run_scoped3A : memref<!tpu.dma_semaphore, #tpu.memory_space<semaphore_mem>>)
      %dma_wait3A_11 = tpu.memref_slice %arg3[%mul3A_2] : memref<320000xi32, #tpu.memory_space<hbm>> -> memref<10000xi32, #tpu.memory_space<hbm>>
      %dma_wait3A_12 = tpu.memref_slice %arg3[%mul3A_2] : memref<320000xi32, #tpu.memory_space<hbm>> -> memref<10000xi32, #tpu.memory_space<hbm>>
      tpu.wait_dma2 semaphore(%run_scoped3A : memref<!tpu.dma_semaphore, #tpu.memory_space<semaphore_mem>>) src(%dma_wait3A_12 : memref<10000xi32, #tpu.memory_space<hbm>>) dst(%arg5 : memref<10000xi32, #tpu.memory_space<vmem>>)
      tpu.yield
    }) : () -> ()
    %barrier3A = arith.constant 0 : index
    tpu.barrier barrier_id(%barrier3A)
    %dma_start3A = arith.constant 0 : i32
    %dma_start3A_5 = arith.constant 0 : i32
    %dma_start3A_6 = tpu.memref_slice %arg7[%dma_start3A, %dma_start3A_5] : memref<10000x8xf32, #tpu.memory_space<vmem_shared>> -> memref<10000x8xf32, #tpu.memory_space<vmem_shared>>
    tpu.enqueue_indirect_dma source(%dma_start3A_6 : memref<10000x8xf32, #tpu.memory_space<vmem_shared>>) target(%arg6 : memref<10000x8xf32, #tpu.memory_space<vmem>>) offsets(%arg5 : memref<10000xi32, #tpu.memory_space<vmem>>) semaphore(%arg8 : memref<!tpu.dma_semaphore, #tpu.memory_space<semaphore_mem>>)
    %dma_wait3A = arith.constant 0 : i32
    %dma_wait3A_7 = arith.constant 0 : i32
    %dma_wait3A_8 = tpu.memref_slice %arg7[%dma_wait3A, %dma_wait3A_7] : memref<10000x8xf32, #tpu.memory_space<vmem_shared>> -> memref<10000x8xf32, #tpu.memory_space<vmem_shared>>
    tpu.wait_indirect_dma semaphore(%arg8 : memref<!tpu.dma_semaphore, #tpu.memory_space<semaphore_mem>>) src(%dma_wait3A_8 : memref<10000x8xf32, #tpu.memory_space<vmem_shared>>) dst(%arg6 : memref<10000x8xf32, #tpu.memory_space<vmem>>)
    "tpu.region"() ({
      %run_scoped3A = tpu.sem_alloc : memref<!tpu.dma_semaphore, #tpu.memory_space<semaphore_mem>>
      %dma_start3A_9 = arith.constant 0 : i32
      %dma_start3A_10 = tpu.memref_slice %arg4[%mul3A_2, %dma_start3A_9] : memref<320000x8xf32, #tpu.memory_space<hbm>> -> memref<10000x8xf32, #tpu.memory_space<hbm>>
      %dma_start3A_11 = arith.constant 0 : i32
      %dma_start3A_12 = tpu.memref_slice %arg4[%mul3A_2, %dma_start3A_11] : memref<320000x8xf32, #tpu.memory_space<hbm>> -> memref<10000x8xf32, #tpu.memory_space<hbm>>
      tpu.enqueue_dma source(%arg6 : memref<10000x8xf32, #tpu.memory_space<vmem>>) target(%dma_start3A_12 : memref<10000x8xf32, #tpu.memory_space<hbm>>) target_semaphore(%run_scoped3A : memref<!tpu.dma_semaphore, #tpu.memory_space<semaphore_mem>>)
      %dma_wait3A_13 = arith.constant 0 : i32
      %dma_wait3A_14 = tpu.memref_slice %arg4[%mul3A_2, %dma_wait3A_13] : memref<320000x8xf32, #tpu.memory_space<hbm>> -> memref<10000x8xf32, #tpu.memory_space<hbm>>
      %dma_wait3A_15 = arith.constant 0 : i32
      %dma_wait3A_16 = tpu.memref_slice %arg4[%mul3A_2, %dma_wait3A_15] : memref<320000x8xf32, #tpu.memory_space<hbm>> -> memref<10000x8xf32, #tpu.memory_space<hbm>>
      tpu.wait_dma2 semaphore(%run_scoped3A : memref<!tpu.dma_semaphore, #tpu.memory_space<semaphore_mem>>) src(%arg6 : memref<10000x8xf32, #tpu.memory_space<vmem>>) dst(%dma_wait3A_16 : memref<10000x8xf32, #tpu.memory_space<hbm>>)
      tpu.yield
    }) : () -> ()
    return
  }
}

#map = affine_map<(d0, d1) -> (0, 0)>
#map1 = affine_map<(d0, d1) -> (0)>
#map2 = affine_map<(d0, d1) -> (0, 0, 0)>
module attributes {stable_mosaic.version = 14 : i64} {
  func.func @sc_scatter(%arg0: i32, %arg1: i32, %arg2: memref<320000x8xf32, #tpu.memory_space<hbm>>, %arg3: memref<320000xi32, #tpu.memory_space<hbm>>, %arg4: memref<10000x8xf32, #tpu.memory_space<hbm>>, %arg5: memref<2x10000x8xf32, #tpu.memory_space<hbm>>, %arg6: memref<10000xi32, #tpu.memory_space<vmem>>, %arg7: memref<10000x8xf32, #tpu.memory_space<vmem>>, %arg8: memref<10000x8xf32, #tpu.memory_space<vmem_shared>>) attributes {dimension_semantics = [#tpu.dimension_semantics<core_parallel>, #tpu.dimension_semantics<subcore_parallel>], iteration_bounds = array<i64: 2, 16>, scalar_prefetch = 0 : i64, scratch_operands = 3 : i64, tpu.core_type = #tpu.core_type<sc_vector_subcore>, window_params = [{transform_indices = #map}, {transform_indices = #map1}, {transform_indices = #map}, {transform_indices = #map2}]} {
    %mul3A = arith.constant 2 : i32
    %mul3A_0 = arith.muli %arg1, %mul3A : i32
    %add3A = arith.addi %mul3A_0, %arg0 : i32
    %mul3A_1 = arith.constant 10000 : i32
    %mul3A_2 = arith.muli %add3A, %mul3A_1 : i32
    %eq3A = arith.constant 0 : i32
    %eq3A_3 = arith.cmpi eq, %arg1, %eq3A : i32
    %convert_element_type3A = arith.extui %eq3A_3 : i1 to i32
    %cond3A = arith.constant 0 : i32
    %cond3A_4 = arith.cmpi ne, %convert_element_type3A, %cond3A : i32
    scf.if %cond3A_4 {
      "tpu.region"() ({
        %run_scoped3A = tpu.sem_alloc : memref<!tpu.dma_semaphore, #tpu.memory_space<semaphore_mem>>
        tpu.enqueue_dma source(%arg4 : memref<10000x8xf32, #tpu.memory_space<hbm>>) target(%arg8 : memref<10000x8xf32, #tpu.memory_space<vmem_shared>>) target_semaphore(%run_scoped3A : memref<!tpu.dma_semaphore, #tpu.memory_space<semaphore_mem>>)
        tpu.wait_dma2 semaphore(%run_scoped3A : memref<!tpu.dma_semaphore, #tpu.memory_space<semaphore_mem>>) src(%arg4 : memref<10000x8xf32, #tpu.memory_space<hbm>>) dst(%arg8 : memref<10000x8xf32, #tpu.memory_space<vmem_shared>>)
        tpu.yield
      }) : () -> ()
    } else {
    }
    %barrier3A = arith.constant 0 : index
    tpu.barrier barrier_id(%barrier3A)
    "tpu.region"() ({
      %run_scoped3A = tpu.sem_alloc : memref<!tpu.dma_semaphore, #tpu.memory_space<semaphore_mem>>
      %dma_start3A = tpu.memref_slice %arg3[%mul3A_2] : memref<320000xi32, #tpu.memory_space<hbm>> -> memref<10000xi32, #tpu.memory_space<hbm>>
      %dma_start3A_11 = tpu.memref_slice %arg3[%mul3A_2] : memref<320000xi32, #tpu.memory_space<hbm>> -> memref<10000xi32, #tpu.memory_space<hbm>>
      tpu.enqueue_dma source(%dma_start3A_11 : memref<10000xi32, #tpu.memory_space<hbm>>) target(%arg6 : memref<10000xi32, #tpu.memory_space<vmem>>) target_semaphore(%run_scoped3A : memref<!tpu.dma_semaphore, #tpu.memory_space<semaphore_mem>>)
      %dma_wait3A = tpu.memref_slice %arg3[%mul3A_2] : memref<320000xi32, #tpu.memory_space<hbm>> -> memref<10000xi32, #tpu.memory_space<hbm>>
      %dma_wait3A_12 = tpu.memref_slice %arg3[%mul3A_2] : memref<320000xi32, #tpu.memory_space<hbm>> -> memref<10000xi32, #tpu.memory_space<hbm>>
      tpu.wait_dma2 semaphore(%run_scoped3A : memref<!tpu.dma_semaphore, #tpu.memory_space<semaphore_mem>>) src(%dma_wait3A_12 : memref<10000xi32, #tpu.memory_space<hbm>>) dst(%arg6 : memref<10000xi32, #tpu.memory_space<vmem>>)
      tpu.yield
    }) : () -> ()
    "tpu.region"() ({
      %run_scoped3A = tpu.sem_alloc : memref<!tpu.dma_semaphore, #tpu.memory_space<semaphore_mem>>
      %dma_start3A = arith.constant 0 : i32
      %dma_start3A_11 = tpu.memref_slice %arg2[%mul3A_2, %dma_start3A] : memref<320000x8xf32, #tpu.memory_space<hbm>> -> memref<10000x8xf32, #tpu.memory_space<hbm>>
      %dma_start3A_12 = arith.constant 0 : i32
      %dma_start3A_13 = tpu.memref_slice %arg2[%mul3A_2, %dma_start3A_12] : memref<320000x8xf32, #tpu.memory_space<hbm>> -> memref<10000x8xf32, #tpu.memory_space<hbm>>
      tpu.enqueue_dma source(%dma_start3A_13 : memref<10000x8xf32, #tpu.memory_space<hbm>>) target(%arg7 : memref<10000x8xf32, #tpu.memory_space<vmem>>) target_semaphore(%run_scoped3A : memref<!tpu.dma_semaphore, #tpu.memory_space<semaphore_mem>>)
      %dma_wait3A = arith.constant 0 : i32
      %dma_wait3A_14 = tpu.memref_slice %arg2[%mul3A_2, %dma_wait3A] : memref<320000x8xf32, #tpu.memory_space<hbm>> -> memref<10000x8xf32, #tpu.memory_space<hbm>>
      %dma_wait3A_15 = arith.constant 0 : i32
      %dma_wait3A_16 = tpu.memref_slice %arg2[%mul3A_2, %dma_wait3A_15] : memref<320000x8xf32, #tpu.memory_space<hbm>> -> memref<10000x8xf32, #tpu.memory_space<hbm>>
      tpu.wait_dma2 semaphore(%run_scoped3A : memref<!tpu.dma_semaphore, #tpu.memory_space<semaphore_mem>>) src(%dma_wait3A_16 : memref<10000x8xf32, #tpu.memory_space<hbm>>) dst(%arg7 : memref<10000x8xf32, #tpu.memory_space<vmem>>)
      tpu.yield
    }) : () -> ()
    "tpu.region"() ({
      %run_scoped3A = tpu.sem_alloc : memref<!tpu.dma_semaphore, #tpu.memory_space<semaphore_mem>>
      %dma_start3A = arith.constant 0 : i32
      %dma_start3A_11 = arith.constant 0 : i32
      %dma_start3A_12 = tpu.memref_slice %arg8[%dma_start3A, %dma_start3A_11] : memref<10000x8xf32, #tpu.memory_space<vmem_shared>> -> memref<10000x8xf32, #tpu.memory_space<vmem_shared>>
      tpu.enqueue_indirect_dma source(%arg7 : memref<10000x8xf32, #tpu.memory_space<vmem>>) target(%dma_start3A_12 : memref<10000x8xf32, #tpu.memory_space<vmem_shared>>) offsets(%arg6 : memref<10000xi32, #tpu.memory_space<vmem>>) semaphore(%run_scoped3A : memref<!tpu.dma_semaphore, #tpu.memory_space<semaphore_mem>>) {add = true}
      %dma_wait3A = arith.constant 0 : i32
      %dma_wait3A_13 = arith.constant 0 : i32
      %dma_wait3A_14 = tpu.memref_slice %arg8[%dma_wait3A, %dma_wait3A_13] : memref<10000x8xf32, #tpu.memory_space<vmem_shared>> -> memref<10000x8xf32, #tpu.memory_space<vmem_shared>>
      tpu.wait_indirect_dma semaphore(%run_scoped3A : memref<!tpu.dma_semaphore, #tpu.memory_space<semaphore_mem>>) src(%arg7 : memref<10000x8xf32, #tpu.memory_space<vmem>>) dst(%dma_wait3A_14 : memref<10000x8xf32, #tpu.memory_space<vmem_shared>>)
      tpu.yield
    }) : () -> ()
    %barrier3A_5 = arith.constant 0 : index
    tpu.barrier barrier_id(%barrier3A_5)
    %eq3A_6 = arith.constant 0 : i32
    %eq3A_7 = arith.cmpi eq, %arg1, %eq3A_6 : i32
    %convert_element_type3A_8 = arith.extui %eq3A_7 : i1 to i32
    %cond3A_9 = arith.constant 0 : i32
    %cond3A_10 = arith.cmpi ne, %convert_element_type3A_8, %cond3A_9 : i32
    scf.if %cond3A_10 {
      "tpu.region"() ({
        %run_scoped3A = tpu.sem_alloc : memref<!tpu.dma_semaphore, #tpu.memory_space<semaphore_mem>>
        %dma_start3A = arith.constant 0 : i32
        %dma_start3A_11 = arith.constant 0 : i32
        %dma_start3A_12 = tpu.memref_slice %arg5[%arg0, %dma_start3A, %dma_start3A_11] : memref<2x10000x8xf32, #tpu.memory_space<hbm>> -> memref<1x10000x8xf32, #tpu.memory_space<hbm>>
        %dma_start3A_13 = tpu.memref_squeeze %dma_start3A_12 : memref<1x10000x8xf32, #tpu.memory_space<hbm>> -> memref<10000x8xf32, #tpu.memory_space<hbm>>
        tpu.enqueue_dma source(%arg8 : memref<10000x8xf32, #tpu.memory_space<vmem_shared>>) target(%dma_start3A_13 : memref<10000x8xf32, #tpu.memory_space<hbm>>) target_semaphore(%run_scoped3A : memref<!tpu.dma_semaphore, #tpu.memory_space<semaphore_mem>>)
        %dma_wait3A = arith.constant 0 : i32
        %dma_wait3A_14 = arith.constant 0 : i32
        %dma_wait3A_15 = tpu.memref_slice %arg5[%arg0, %dma_wait3A, %dma_wait3A_14] : memref<2x10000x8xf32, #tpu.memory_space<hbm>> -> memref<1x10000x8xf32, #tpu.memory_space<hbm>>
        %dma_wait3A_16 = tpu.memref_squeeze %dma_wait3A_15 : memref<1x10000x8xf32, #tpu.memory_space<hbm>> -> memref<10000x8xf32, #tpu.memory_space<hbm>>
        tpu.wait_dma2 semaphore(%run_scoped3A : memref<!tpu.dma_semaphore, #tpu.memory_space<semaphore_mem>>) src(%arg8 : memref<10000x8xf32, #tpu.memory_space<vmem_shared>>) dst(%dma_wait3A_16 : memref<10000x8xf32, #tpu.memory_space<hbm>>)
        tpu.yield
      }) : () -> ()
    } else {
    }
    return
  }
}

#map = affine_map<(d0, d1) -> (0, 0)>
#map1 = affine_map<(d0, d1) -> (0)>
module attributes {stable_mosaic.version = 14 : i64} {
  func.func @sc_gather(%arg0: i32, %arg1: i32, %arg2: memref<10000x8xf32, #tpu.memory_space<hbm>>, %arg3: memref<320000xi32, #tpu.memory_space<hbm>>, %arg4: memref<320000x8xf32, #tpu.memory_space<hbm>>, %arg5: memref<10000xi32, #tpu.memory_space<vmem>>, %arg6: memref<10000x8xf32, #tpu.memory_space<vmem>>, %arg7: memref<10000x8xf32, #tpu.memory_space<vmem_shared>>, %arg8: memref<!tpu.dma_semaphore, #tpu.memory_space<semaphore_mem>>) attributes {dimension_semantics = [#tpu.dimension_semantics<core_parallel>, #tpu.dimension_semantics<subcore_parallel>], iteration_bounds = array<i64: 2, 16>, scalar_prefetch = 0 : i64, scratch_operands = 4 : i64, tpu.core_type = #tpu.core_type<sc_vector_subcore>, window_params = [{transform_indices = #map}, {transform_indices = #map1}, {transform_indices = #map}]} {
    %mul3A = arith.constant 2 : i32
    %mul3A_0 = arith.muli %arg1, %mul3A : i32
    %add3A = arith.addi %mul3A_0, %arg0 : i32
    %mul3A_1 = arith.constant 10000 : i32
    %mul3A_2 = arith.muli %add3A, %mul3A_1 : i32
    %eq3A = arith.constant 0 : i32
    %eq3A_3 = arith.cmpi eq, %arg1, %eq3A : i32
    %convert_element_type3A = arith.extui %eq3A_3 : i1 to i32
    %cond3A = arith.constant 0 : i32
    %cond3A_4 = arith.cmpi ne, %convert_element_type3A, %cond3A : i32
    scf.if %cond3A_4 {
      "tpu.region"() ({
        %run_scoped3A = tpu.sem_alloc : memref<!tpu.dma_semaphore, #tpu.memory_space<semaphore_mem>>
        tpu.enqueue_dma source(%arg2 : memref<10000x8xf32, #tpu.memory_space<hbm>>) target(%arg7 : memref<10000x8xf32, #tpu.memory_space<vmem_shared>>) target_semaphore(%run_scoped3A : memref<!tpu.dma_semaphore, #tpu.memory_space<semaphore_mem>>)
        tpu.wait_dma2 semaphore(%run_scoped3A : memref<!tpu.dma_semaphore, #tpu.memory_space<semaphore_mem>>) src(%arg2 : memref<10000x8xf32, #tpu.memory_space<hbm>>) dst(%arg7 : memref<10000x8xf32, #tpu.memory_space<vmem_shared>>)
        tpu.yield
      }) : () -> ()
    } else {
    }
    "tpu.region"() ({
      %run_scoped3A = tpu.sem_alloc : memref<!tpu.dma_semaphore, #tpu.memory_space<semaphore_mem>>
      %dma_start3A_9 = tpu.memref_slice %arg3[%mul3A_2] : memref<320000xi32, #tpu.memory_space<hbm>> -> memref<10000xi32, #tpu.memory_space<hbm>>
      %dma_start3A_10 = tpu.memref_slice %arg3[%mul3A_2] : memref<320000xi32, #tpu.memory_space<hbm>> -> memref<10000xi32, #tpu.memory_space<hbm>>
      tpu.enqueue_dma source(%dma_start3A_10 : memref<10000xi32, #tpu.memory_space<hbm>>) target(%arg5 : memref<10000xi32, #tpu.memory_space<vmem>>) target_semaphore(%run_scoped3A : memref<!tpu.dma_semaphore, #tpu.memory_space<semaphore_mem>>)
      %dma_wait3A_11 = tpu.memref_slice %arg3[%mul3A_2] : memref<320000xi32, #tpu.memory_space<hbm>> -> memref<10000xi32, #tpu.memory_space<hbm>>
      %dma_wait3A_12 = tpu.memref_slice %arg3[%mul3A_2] : memref<320000xi32, #tpu.memory_space<hbm>> -> memref<10000xi32, #tpu.memory_space<hbm>>
      tpu.wait_dma2 semaphore(%run_scoped3A : memref<!tpu.dma_semaphore, #tpu.memory_space<semaphore_mem>>) src(%dma_wait3A_12 : memref<10000xi32, #tpu.memory_space<hbm>>) dst(%arg5 : memref<10000xi32, #tpu.memory_space<vmem>>)
      tpu.yield
    }) : () -> ()
    %barrier3A = arith.constant 0 : index
    tpu.barrier barrier_id(%barrier3A)
    %dma_start3A = arith.constant 0 : i32
    %dma_start3A_5 = arith.constant 0 : i32
    %dma_start3A_6 = tpu.memref_slice %arg7[%dma_start3A, %dma_start3A_5] : memref<10000x8xf32, #tpu.memory_space<vmem_shared>> -> memref<10000x8xf32, #tpu.memory_space<vmem_shared>>
    tpu.enqueue_indirect_dma source(%dma_start3A_6 : memref<10000x8xf32, #tpu.memory_space<vmem_shared>>) target(%arg6 : memref<10000x8xf32, #tpu.memory_space<vmem>>) offsets(%arg5 : memref<10000xi32, #tpu.memory_space<vmem>>) semaphore(%arg8 : memref<!tpu.dma_semaphore, #tpu.memory_space<semaphore_mem>>)
    %dma_wait3A = arith.constant 0 : i32
    %dma_wait3A_7 = arith.constant 0 : i32
    %dma_wait3A_8 = tpu.memref_slice %arg7[%dma_wait3A, %dma_wait3A_7] : memref<10000x8xf32, #tpu.memory_space<vmem_shared>> -> memref<10000x8xf32, #tpu.memory_space<vmem_shared>>
    tpu.wait_indirect_dma semaphore(%arg8 : memref<!tpu.dma_semaphore, #tpu.memory_space<semaphore_mem>>) src(%dma_wait3A_8 : memref<10000x8xf32, #tpu.memory_space<vmem_shared>>) dst(%arg6 : memref<10000x8xf32, #tpu.memory_space<vmem>>)
    "tpu.region"() ({
      %run_scoped3A = tpu.sem_alloc : memref<!tpu.dma_semaphore, #tpu.memory_space<semaphore_mem>>
      %dma_start3A_9 = arith.constant 0 : i32
      %dma_start3A_10 = tpu.memref_slice %arg4[%mul3A_2, %dma_start3A_9] : memref<320000x8xf32, #tpu.memory_space<hbm>> -> memref<10000x8xf32, #tpu.memory_space<hbm>>
      %dma_start3A_11 = arith.constant 0 : i32
      %dma_start3A_12 = tpu.memref_slice %arg4[%mul3A_2, %dma_start3A_11] : memref<320000x8xf32, #tpu.memory_space<hbm>> -> memref<10000x8xf32, #tpu.memory_space<hbm>>
      tpu.enqueue_dma source(%arg6 : memref<10000x8xf32, #tpu.memory_space<vmem>>) target(%dma_start3A_12 : memref<10000x8xf32, #tpu.memory_space<hbm>>) target_semaphore(%run_scoped3A : memref<!tpu.dma_semaphore, #tpu.memory_space<semaphore_mem>>)
      %dma_wait3A_13 = arith.constant 0 : i32
      %dma_wait3A_14 = tpu.memref_slice %arg4[%mul3A_2, %dma_wait3A_13] : memref<320000x8xf32, #tpu.memory_space<hbm>> -> memref<10000x8xf32, #tpu.memory_space<hbm>>
      %dma_wait3A_15 = arith.constant 0 : i32
      %dma_wait3A_16 = tpu.memref_slice %arg4[%mul3A_2, %dma_wait3A_15] : memref<320000x8xf32, #tpu.memory_space<hbm>> -> memref<10000x8xf32, #tpu.memory_space<hbm>>
      tpu.wait_dma2 semaphore(%run_scoped3A : memref<!tpu.dma_semaphore, #tpu.memory_space<semaphore_mem>>) src(%arg6 : memref<10000x8xf32, #tpu.memory_space<vmem>>) dst(%dma_wait3A_16 : memref<10000x8xf32, #tpu.memory_space<hbm>>)
      tpu.yield
    }) : () -> ()
    return
  }
}

#map = affine_map<(d0, d1) -> (0, 0)>
#map1 = affine_map<(d0, d1) -> (0)>
#map2 = affine_map<(d0, d1) -> (0, 0, 0)>
module attributes {stable_mosaic.version = 14 : i64} {
  func.func @sc_scatter(%arg0: i32, %arg1: i32, %arg2: memref<320000x8xf32, #tpu.memory_space<hbm>>, %arg3: memref<320000xi32, #tpu.memory_space<hbm>>, %arg4: memref<10000x8xf32, #tpu.memory_space<hbm>>, %arg5: memref<2x10000x8xf32, #tpu.memory_space<hbm>>, %arg6: memref<10000xi32, #tpu.memory_space<vmem>>, %arg7: memref<10000x8xf32, #tpu.memory_space<vmem>>, %arg8: memref<10000x8xf32, #tpu.memory_space<vmem_shared>>) attributes {dimension_semantics = [#tpu.dimension_semantics<core_parallel>, #tpu.dimension_semantics<subcore_parallel>], iteration_bounds = array<i64: 2, 16>, scalar_prefetch = 0 : i64, scratch_operands = 3 : i64, tpu.core_type = #tpu.core_type<sc_vector_subcore>, window_params = [{transform_indices = #map}, {transform_indices = #map1}, {transform_indices = #map}, {transform_indices = #map2}]} {
    %mul3A = arith.constant 2 : i32
    %mul3A_0 = arith.muli %arg1, %mul3A : i32
    %add3A = arith.addi %mul3A_0, %arg0 : i32
    %mul3A_1 = arith.constant 10000 : i32
    %mul3A_2 = arith.muli %add3A, %mul3A_1 : i32
    %eq3A = arith.constant 0 : i32
    %eq3A_3 = arith.cmpi eq, %arg1, %eq3A : i32
    %convert_element_type3A = arith.extui %eq3A_3 : i1 to i32
    %cond3A = arith.constant 0 : i32
    %cond3A_4 = arith.cmpi ne, %convert_element_type3A, %cond3A : i32
    scf.if %cond3A_4 {
      "tpu.region"() ({
        %run_scoped3A = tpu.sem_alloc : memref<!tpu.dma_semaphore, #tpu.memory_space<semaphore_mem>>
        tpu.enqueue_dma source(%arg4 : memref<10000x8xf32, #tpu.memory_space<hbm>>) target(%arg8 : memref<10000x8xf32, #tpu.memory_space<vmem_shared>>) target_semaphore(%run_scoped3A : memref<!tpu.dma_semaphore, #tpu.memory_space<semaphore_mem>>)
        tpu.wait_dma2 semaphore(%run_scoped3A : memref<!tpu.dma_semaphore, #tpu.memory_space<semaphore_mem>>) src(%arg4 : memref<10000x8xf32, #tpu.memory_space<hbm>>) dst(%arg8 : memref<10000x8xf32, #tpu.memory_space<vmem_shared>>)
        tpu.yield
      }) : () -> ()
    } else {
    }
    %barrier3A = arith.constant 0 : index
    tpu.barrier barrier_id(%barrier3A)
    "tpu.region"() ({
      %run_scoped3A = tpu.sem_alloc : memref<!tpu.dma_semaphore, #tpu.memory_space<semaphore_mem>>
      %dma_start3A = tpu.memref_slice %arg3[%mul3A_2] : memref<320000xi32, #tpu.memory_space<hbm>> -> memref<10000xi32, #tpu.memory_space<hbm>>
      %dma_start3A_11 = tpu.memref_slice %arg3[%mul3A_2] : memref<320000xi32, #tpu.memory_space<hbm>> -> memref<10000xi32, #tpu.memory_space<hbm>>
      tpu.enqueue_dma source(%dma_start3A_11 : memref<10000xi32, #tpu.memory_space<hbm>>) target(%arg6 : memref<10000xi32, #tpu.memory_space<vmem>>) target_semaphore(%run_scoped3A : memref<!tpu.dma_semaphore, #tpu.memory_space<semaphore_mem>>)
      %dma_wait3A = tpu.memref_slice %arg3[%mul3A_2] : memref<320000xi32, #tpu.memory_space<hbm>> -> memref<10000xi32, #tpu.memory_space<hbm>>
      %dma_wait3A_12 = tpu.memref_slice %arg3[%mul3A_2] : memref<320000xi32, #tpu.memory_space<hbm>> -> memref<10000xi32, #tpu.memory_space<hbm>>
      tpu.wait_dma2 semaphore(%run_scoped3A : memref<!tpu.dma_semaphore, #tpu.memory_space<semaphore_mem>>) src(%dma_wait3A_12 : memref<10000xi32, #tpu.memory_space<hbm>>) dst(%arg6 : memref<10000xi32, #tpu.memory_space<vmem>>)
      tpu.yield
    }) : () -> ()
    "tpu.region"() ({
      %run_scoped3A = tpu.sem_alloc : memref<!tpu.dma_semaphore, #tpu.memory_space<semaphore_mem>>
      %dma_start3A = arith.constant 0 : i32
      %dma_start3A_11 = tpu.memref_slice %arg2[%mul3A_2, %dma_start3A] : memref<320000x8xf32, #tpu.memory_space<hbm>> -> memref<10000x8xf32, #tpu.memory_space<hbm>>
      %dma_start3A_12 = arith.constant 0 : i32
      %dma_start3A_13 = tpu.memref_slice %arg2[%mul3A_2, %dma_start3A_12] : memref<320000x8xf32, #tpu.memory_space<hbm>> -> memref<10000x8xf32, #tpu.memory_space<hbm>>
      tpu.enqueue_dma source(%dma_start3A_13 : memref<10000x8xf32, #tpu.memory_space<hbm>>) target(%arg7 : memref<10000x8xf32, #tpu.memory_space<vmem>>) target_semaphore(%run_scoped3A : memref<!tpu.dma_semaphore, #tpu.memory_space<semaphore_mem>>)
      %dma_wait3A = arith.constant 0 : i32
      %dma_wait3A_14 = tpu.memref_slice %arg2[%mul3A_2, %dma_wait3A] : memref<320000x8xf32, #tpu.memory_space<hbm>> -> memref<10000x8xf32, #tpu.memory_space<hbm>>
      %dma_wait3A_15 = arith.constant 0 : i32
      %dma_wait3A_16 = tpu.memref_slice %arg2[%mul3A_2, %dma_wait3A_15] : memref<320000x8xf32, #tpu.memory_space<hbm>> -> memref<10000x8xf32, #tpu.memory_space<hbm>>
      tpu.wait_dma2 semaphore(%run_scoped3A : memref<!tpu.dma_semaphore, #tpu.memory_space<semaphore_mem>>) src(%dma_wait3A_16 : memref<10000x8xf32, #tpu.memory_space<hbm>>) dst(%arg7 : memref<10000x8xf32, #tpu.memory_space<vmem>>)
      tpu.yield
    }) : () -> ()
    "tpu.region"() ({
      %run_scoped3A = tpu.sem_alloc : memref<!tpu.dma_semaphore, #tpu.memory_space<semaphore_mem>>
      %dma_start3A = arith.constant 0 : i32
      %dma_start3A_11 = arith.constant 0 : i32
      %dma_start3A_12 = tpu.memref_slice %arg8[%dma_start3A, %dma_start3A_11] : memref<10000x8xf32, #tpu.memory_space<vmem_shared>> -> memref<10000x8xf32, #tpu.memory_space<vmem_shared>>
      tpu.enqueue_indirect_dma source(%arg7 : memref<10000x8xf32, #tpu.memory_space<vmem>>) target(%dma_start3A_12 : memref<10000x8xf32, #tpu.memory_space<vmem_shared>>) offsets(%arg6 : memref<10000xi32, #tpu.memory_space<vmem>>) semaphore(%run_scoped3A : memref<!tpu.dma_semaphore, #tpu.memory_space<semaphore_mem>>) {add = true}
      %dma_wait3A = arith.constant 0 : i32
      %dma_wait3A_13 = arith.constant 0 : i32
      %dma_wait3A_14 = tpu.memref_slice %arg8[%dma_wait3A, %dma_wait3A_13] : memref<10000x8xf32, #tpu.memory_space<vmem_shared>> -> memref<10000x8xf32, #tpu.memory_space<vmem_shared>>
      tpu.wait_indirect_dma semaphore(%run_scoped3A : memref<!tpu.dma_semaphore, #tpu.memory_space<semaphore_mem>>) src(%arg7 : memref<10000x8xf32, #tpu.memory_space<vmem>>) dst(%dma_wait3A_14 : memref<10000x8xf32, #tpu.memory_space<vmem_shared>>)
      tpu.yield
    }) : () -> ()
    %barrier3A_5 = arith.constant 0 : index
    tpu.barrier barrier_id(%barrier3A_5)
    %eq3A_6 = arith.constant 0 : i32
    %eq3A_7 = arith.cmpi eq, %arg1, %eq3A_6 : i32
    %convert_element_type3A_8 = arith.extui %eq3A_7 : i1 to i32
    %cond3A_9 = arith.constant 0 : i32
    %cond3A_10 = arith.cmpi ne, %convert_element_type3A_8, %cond3A_9 : i32
    scf.if %cond3A_10 {
      "tpu.region"() ({
        %run_scoped3A = tpu.sem_alloc : memref<!tpu.dma_semaphore, #tpu.memory_space<semaphore_mem>>
        %dma_start3A = arith.constant 0 : i32
        %dma_start3A_11 = arith.constant 0 : i32
        %dma_start3A_12 = tpu.memref_slice %arg5[%arg0, %dma_start3A, %dma_start3A_11] : memref<2x10000x8xf32, #tpu.memory_space<hbm>> -> memref<1x10000x8xf32, #tpu.memory_space<hbm>>
        %dma_start3A_13 = tpu.memref_squeeze %dma_start3A_12 : memref<1x10000x8xf32, #tpu.memory_space<hbm>> -> memref<10000x8xf32, #tpu.memory_space<hbm>>
        tpu.enqueue_dma source(%arg8 : memref<10000x8xf32, #tpu.memory_space<vmem_shared>>) target(%dma_start3A_13 : memref<10000x8xf32, #tpu.memory_space<hbm>>) target_semaphore(%run_scoped3A : memref<!tpu.dma_semaphore, #tpu.memory_space<semaphore_mem>>)
        %dma_wait3A = arith.constant 0 : i32
        %dma_wait3A_14 = arith.constant 0 : i32
        %dma_wait3A_15 = tpu.memref_slice %arg5[%arg0, %dma_wait3A, %dma_wait3A_14] : memref<2x10000x8xf32, #tpu.memory_space<hbm>> -> memref<1x10000x8xf32, #tpu.memory_space<hbm>>
        %dma_wait3A_16 = tpu.memref_squeeze %dma_wait3A_15 : memref<1x10000x8xf32, #tpu.memory_space<hbm>> -> memref<10000x8xf32, #tpu.memory_space<hbm>>
        tpu.wait_dma2 semaphore(%run_scoped3A : memref<!tpu.dma_semaphore, #tpu.memory_space<semaphore_mem>>) src(%arg8 : memref<10000x8xf32, #tpu.memory_space<vmem_shared>>) dst(%dma_wait3A_16 : memref<10000x8xf32, #tpu.memory_space<hbm>>)
        tpu.yield
      }) : () -> ()
    } else {
    }
    return
  }
}

#map = affine_map<(d0, d1) -> (0, 0)>
#map1 = affine_map<(d0, d1) -> (0)>
module attributes {stable_mosaic.version = 14 : i64} {
  func.func @sc_gather(%arg0: i32, %arg1: i32, %arg2: memref<10000x8xf32, #tpu.memory_space<hbm>>, %arg3: memref<320000xi32, #tpu.memory_space<hbm>>, %arg4: memref<320000x8xf32, #tpu.memory_space<hbm>>, %arg5: memref<10000xi32, #tpu.memory_space<vmem>>, %arg6: memref<10000x8xf32, #tpu.memory_space<vmem>>, %arg7: memref<10000x8xf32, #tpu.memory_space<vmem_shared>>, %arg8: memref<!tpu.dma_semaphore, #tpu.memory_space<semaphore_mem>>) attributes {dimension_semantics = [#tpu.dimension_semantics<core_parallel>, #tpu.dimension_semantics<subcore_parallel>], iteration_bounds = array<i64: 2, 16>, scalar_prefetch = 0 : i64, scratch_operands = 4 : i64, tpu.core_type = #tpu.core_type<sc_vector_subcore>, window_params = [{transform_indices = #map}, {transform_indices = #map1}, {transform_indices = #map}]} {
    %mul3A = arith.constant 2 : i32
    %mul3A_0 = arith.muli %arg1, %mul3A : i32
    %add3A = arith.addi %mul3A_0, %arg0 : i32
    %mul3A_1 = arith.constant 10000 : i32
    %mul3A_2 = arith.muli %add3A, %mul3A_1 : i32
    %eq3A = arith.constant 0 : i32
    %eq3A_3 = arith.cmpi eq, %arg1, %eq3A : i32
    %convert_element_type3A = arith.extui %eq3A_3 : i1 to i32
    %cond3A = arith.constant 0 : i32
    %cond3A_4 = arith.cmpi ne, %convert_element_type3A, %cond3A : i32
    scf.if %cond3A_4 {
      "tpu.region"() ({
        %run_scoped3A = tpu.sem_alloc : memref<!tpu.dma_semaphore, #tpu.memory_space<semaphore_mem>>
        tpu.enqueue_dma source(%arg2 : memref<10000x8xf32, #tpu.memory_space<hbm>>) target(%arg7 : memref<10000x8xf32, #tpu.memory_space<vmem_shared>>) target_semaphore(%run_scoped3A : memref<!tpu.dma_semaphore, #tpu.memory_space<semaphore_mem>>)
        tpu.wait_dma2 semaphore(%run_scoped3A : memref<!tpu.dma_semaphore, #tpu.memory_space<semaphore_mem>>) src(%arg2 : memref<10000x8xf32, #tpu.memory_space<hbm>>) dst(%arg7 : memref<10000x8xf32, #tpu.memory_space<vmem_shared>>)
        tpu.yield
      }) : () -> ()
    } else {
    }
    "tpu.region"() ({
      %run_scoped3A = tpu.sem_alloc : memref<!tpu.dma_semaphore, #tpu.memory_space<semaphore_mem>>
      %dma_start3A_9 = tpu.memref_slice %arg3[%mul3A_2] : memref<320000xi32, #tpu.memory_space<hbm>> -> memref<10000xi32, #tpu.memory_space<hbm>>
      %dma_start3A_10 = tpu.memref_slice %arg3[%mul3A_2] : memref<320000xi32, #tpu.memory_space<hbm>> -> memref<10000xi32, #tpu.memory_space<hbm>>
      tpu.enqueue_dma source(%dma_start3A_10 : memref<10000xi32, #tpu.memory_space<hbm>>) target(%arg5 : memref<10000xi32, #tpu.memory_space<vmem>>) target_semaphore(%run_scoped3A : memref<!tpu.dma_semaphore, #tpu.memory_space<semaphore_mem>>)
      %dma_wait3A_11 = tpu.memref_slice %arg3[%mul3A_2] : memref<320000xi32, #tpu.memory_space<hbm>> -> memref<10000xi32, #tpu.memory_space<hbm>>
      %dma_wait3A_12 = tpu.memref_slice %arg3[%mul3A_2] : memref<320000xi32, #tpu.memory_space<hbm>> -> memref<10000xi32, #tpu.memory_space<hbm>>
      tpu.wait_dma2 semaphore(%run_scoped3A : memref<!tpu.dma_semaphore, #tpu.memory_space<semaphore_mem>>) src(%dma_wait3A_12 : memref<10000xi32, #tpu.memory_space<hbm>>) dst(%arg5 : memref<10000xi32, #tpu.memory_space<vmem>>)
      tpu.yield
    }) : () -> ()
    %barrier3A = arith.constant 0 : index
    tpu.barrier barrier_id(%barrier3A)
    %dma_start3A = arith.constant 0 : i32
    %dma_start3A_5 = arith.constant 0 : i32
    %dma_start3A_6 = tpu.memref_slice %arg7[%dma_start3A, %dma_start3A_5] : memref<10000x8xf32, #tpu.memory_space<vmem_shared>> -> memref<10000x8xf32, #tpu.memory_space<vmem_shared>>
    tpu.enqueue_indirect_dma source(%dma_start3A_6 : memref<10000x8xf32, #tpu.memory_space<vmem_shared>>) target(%arg6 : memref<10000x8xf32, #tpu.memory_space<vmem>>) offsets(%arg5 : memref<10000xi32, #tpu.memory_space<vmem>>) semaphore(%arg8 : memref<!tpu.dma_semaphore, #tpu.memory_space<semaphore_mem>>)
    %dma_wait3A = arith.constant 0 : i32
    %dma_wait3A_7 = arith.constant 0 : i32
    %dma_wait3A_8 = tpu.memref_slice %arg7[%dma_wait3A, %dma_wait3A_7] : memref<10000x8xf32, #tpu.memory_space<vmem_shared>> -> memref<10000x8xf32, #tpu.memory_space<vmem_shared>>
    tpu.wait_indirect_dma semaphore(%arg8 : memref<!tpu.dma_semaphore, #tpu.memory_space<semaphore_mem>>) src(%dma_wait3A_8 : memref<10000x8xf32, #tpu.memory_space<vmem_shared>>) dst(%arg6 : memref<10000x8xf32, #tpu.memory_space<vmem>>)
    "tpu.region"() ({
      %run_scoped3A = tpu.sem_alloc : memref<!tpu.dma_semaphore, #tpu.memory_space<semaphore_mem>>
      %dma_start3A_9 = arith.constant 0 : i32
      %dma_start3A_10 = tpu.memref_slice %arg4[%mul3A_2, %dma_start3A_9] : memref<320000x8xf32, #tpu.memory_space<hbm>> -> memref<10000x8xf32, #tpu.memory_space<hbm>>
      %dma_start3A_11 = arith.constant 0 : i32
      %dma_start3A_12 = tpu.memref_slice %arg4[%mul3A_2, %dma_start3A_11] : memref<320000x8xf32, #tpu.memory_space<hbm>> -> memref<10000x8xf32, #tpu.memory_space<hbm>>
      tpu.enqueue_dma source(%arg6 : memref<10000x8xf32, #tpu.memory_space<vmem>>) target(%dma_start3A_12 : memref<10000x8xf32, #tpu.memory_space<hbm>>) target_semaphore(%run_scoped3A : memref<!tpu.dma_semaphore, #tpu.memory_space<semaphore_mem>>)
      %dma_wait3A_13 = arith.constant 0 : i32
      %dma_wait3A_14 = tpu.memref_slice %arg4[%mul3A_2, %dma_wait3A_13] : memref<320000x8xf32, #tpu.memory_space<hbm>> -> memref<10000x8xf32, #tpu.memory_space<hbm>>
      %dma_wait3A_15 = arith.constant 0 : i32
      %dma_wait3A_16 = tpu.memref_slice %arg4[%mul3A_2, %dma_wait3A_15] : memref<320000x8xf32, #tpu.memory_space<hbm>> -> memref<10000x8xf32, #tpu.memory_space<hbm>>
      tpu.wait_dma2 semaphore(%run_scoped3A : memref<!tpu.dma_semaphore, #tpu.memory_space<semaphore_mem>>) src(%arg6 : memref<10000x8xf32, #tpu.memory_space<vmem>>) dst(%dma_wait3A_16 : memref<10000x8xf32, #tpu.memory_space<hbm>>)
      tpu.yield
    }) : () -> ()
    return
  }
}

#map = affine_map<(d0, d1) -> (0, 0)>
#map1 = affine_map<(d0, d1) -> (0)>
#map2 = affine_map<(d0, d1) -> (0, 0, 0)>
module attributes {stable_mosaic.version = 14 : i64} {
  func.func @sc_scatter(%arg0: i32, %arg1: i32, %arg2: memref<320000x8xf32, #tpu.memory_space<hbm>>, %arg3: memref<320000xi32, #tpu.memory_space<hbm>>, %arg4: memref<10000x8xf32, #tpu.memory_space<hbm>>, %arg5: memref<2x10000x8xf32, #tpu.memory_space<hbm>>, %arg6: memref<10000xi32, #tpu.memory_space<vmem>>, %arg7: memref<10000x8xf32, #tpu.memory_space<vmem>>, %arg8: memref<10000x8xf32, #tpu.memory_space<vmem_shared>>) attributes {dimension_semantics = [#tpu.dimension_semantics<core_parallel>, #tpu.dimension_semantics<subcore_parallel>], iteration_bounds = array<i64: 2, 16>, scalar_prefetch = 0 : i64, scratch_operands = 3 : i64, tpu.core_type = #tpu.core_type<sc_vector_subcore>, window_params = [{transform_indices = #map}, {transform_indices = #map1}, {transform_indices = #map}, {transform_indices = #map2}]} {
    %mul3A = arith.constant 2 : i32
    %mul3A_0 = arith.muli %arg1, %mul3A : i32
    %add3A = arith.addi %mul3A_0, %arg0 : i32
    %mul3A_1 = arith.constant 10000 : i32
    %mul3A_2 = arith.muli %add3A, %mul3A_1 : i32
    %eq3A = arith.constant 0 : i32
    %eq3A_3 = arith.cmpi eq, %arg1, %eq3A : i32
    %convert_element_type3A = arith.extui %eq3A_3 : i1 to i32
    %cond3A = arith.constant 0 : i32
    %cond3A_4 = arith.cmpi ne, %convert_element_type3A, %cond3A : i32
    scf.if %cond3A_4 {
      "tpu.region"() ({
        %run_scoped3A = tpu.sem_alloc : memref<!tpu.dma_semaphore, #tpu.memory_space<semaphore_mem>>
        tpu.enqueue_dma source(%arg4 : memref<10000x8xf32, #tpu.memory_space<hbm>>) target(%arg8 : memref<10000x8xf32, #tpu.memory_space<vmem_shared>>) target_semaphore(%run_scoped3A : memref<!tpu.dma_semaphore, #tpu.memory_space<semaphore_mem>>)
        tpu.wait_dma2 semaphore(%run_scoped3A : memref<!tpu.dma_semaphore, #tpu.memory_space<semaphore_mem>>) src(%arg4 : memref<10000x8xf32, #tpu.memory_space<hbm>>) dst(%arg8 : memref<10000x8xf32, #tpu.memory_space<vmem_shared>>)
        tpu.yield
      }) : () -> ()
    } else {
    }
    %barrier3A = arith.constant 0 : index
    tpu.barrier barrier_id(%barrier3A)
    "tpu.region"() ({
      %run_scoped3A = tpu.sem_alloc : memref<!tpu.dma_semaphore, #tpu.memory_space<semaphore_mem>>
      %dma_start3A = tpu.memref_slice %arg3[%mul3A_2] : memref<320000xi32, #tpu.memory_space<hbm>> -> memref<10000xi32, #tpu.memory_space<hbm>>
      %dma_start3A_11 = tpu.memref_slice %arg3[%mul3A_2] : memref<320000xi32, #tpu.memory_space<hbm>> -> memref<10000xi32, #tpu.memory_space<hbm>>
      tpu.enqueue_dma source(%dma_start3A_11 : memref<10000xi32, #tpu.memory_space<hbm>>) target(%arg6 : memref<10000xi32, #tpu.memory_space<vmem>>) target_semaphore(%run_scoped3A : memref<!tpu.dma_semaphore, #tpu.memory_space<semaphore_mem>>)
      %dma_wait3A = tpu.memref_slice %arg3[%mul3A_2] : memref<320000xi32, #tpu.memory_space<hbm>> -> memref<10000xi32, #tpu.memory_space<hbm>>
      %dma_wait3A_12 = tpu.memref_slice %arg3[%mul3A_2] : memref<320000xi32, #tpu.memory_space<hbm>> -> memref<10000xi32, #tpu.memory_space<hbm>>
      tpu.wait_dma2 semaphore(%run_scoped3A : memref<!tpu.dma_semaphore, #tpu.memory_space<semaphore_mem>>) src(%dma_wait3A_12 : memref<10000xi32, #tpu.memory_space<hbm>>) dst(%arg6 : memref<10000xi32, #tpu.memory_space<vmem>>)
      tpu.yield
    }) : () -> ()
    "tpu.region"() ({
      %run_scoped3A = tpu.sem_alloc : memref<!tpu.dma_semaphore, #tpu.memory_space<semaphore_mem>>
      %dma_start3A = arith.constant 0 : i32
      %dma_start3A_11 = tpu.memref_slice %arg2[%mul3A_2, %dma_start3A] : memref<320000x8xf32, #tpu.memory_space<hbm>> -> memref<10000x8xf32, #tpu.memory_space<hbm>>
      %dma_start3A_12 = arith.constant 0 : i32
      %dma_start3A_13 = tpu.memref_slice %arg2[%mul3A_2, %dma_start3A_12] : memref<320000x8xf32, #tpu.memory_space<hbm>> -> memref<10000x8xf32, #tpu.memory_space<hbm>>
      tpu.enqueue_dma source(%dma_start3A_13 : memref<10000x8xf32, #tpu.memory_space<hbm>>) target(%arg7 : memref<10000x8xf32, #tpu.memory_space<vmem>>) target_semaphore(%run_scoped3A : memref<!tpu.dma_semaphore, #tpu.memory_space<semaphore_mem>>)
      %dma_wait3A = arith.constant 0 : i32
      %dma_wait3A_14 = tpu.memref_slice %arg2[%mul3A_2, %dma_wait3A] : memref<320000x8xf32, #tpu.memory_space<hbm>> -> memref<10000x8xf32, #tpu.memory_space<hbm>>
      %dma_wait3A_15 = arith.constant 0 : i32
      %dma_wait3A_16 = tpu.memref_slice %arg2[%mul3A_2, %dma_wait3A_15] : memref<320000x8xf32, #tpu.memory_space<hbm>> -> memref<10000x8xf32, #tpu.memory_space<hbm>>
      tpu.wait_dma2 semaphore(%run_scoped3A : memref<!tpu.dma_semaphore, #tpu.memory_space<semaphore_mem>>) src(%dma_wait3A_16 : memref<10000x8xf32, #tpu.memory_space<hbm>>) dst(%arg7 : memref<10000x8xf32, #tpu.memory_space<vmem>>)
      tpu.yield
    }) : () -> ()
    "tpu.region"() ({
      %run_scoped3A = tpu.sem_alloc : memref<!tpu.dma_semaphore, #tpu.memory_space<semaphore_mem>>
      %dma_start3A = arith.constant 0 : i32
      %dma_start3A_11 = arith.constant 0 : i32
      %dma_start3A_12 = tpu.memref_slice %arg8[%dma_start3A, %dma_start3A_11] : memref<10000x8xf32, #tpu.memory_space<vmem_shared>> -> memref<10000x8xf32, #tpu.memory_space<vmem_shared>>
      tpu.enqueue_indirect_dma source(%arg7 : memref<10000x8xf32, #tpu.memory_space<vmem>>) target(%dma_start3A_12 : memref<10000x8xf32, #tpu.memory_space<vmem_shared>>) offsets(%arg6 : memref<10000xi32, #tpu.memory_space<vmem>>) semaphore(%run_scoped3A : memref<!tpu.dma_semaphore, #tpu.memory_space<semaphore_mem>>) {add = true}
      %dma_wait3A = arith.constant 0 : i32
      %dma_wait3A_13 = arith.constant 0 : i32
      %dma_wait3A_14 = tpu.memref_slice %arg8[%dma_wait3A, %dma_wait3A_13] : memref<10000x8xf32, #tpu.memory_space<vmem_shared>> -> memref<10000x8xf32, #tpu.memory_space<vmem_shared>>
      tpu.wait_indirect_dma semaphore(%run_scoped3A : memref<!tpu.dma_semaphore, #tpu.memory_space<semaphore_mem>>) src(%arg7 : memref<10000x8xf32, #tpu.memory_space<vmem>>) dst(%dma_wait3A_14 : memref<10000x8xf32, #tpu.memory_space<vmem_shared>>)
      tpu.yield
    }) : () -> ()
    %barrier3A_5 = arith.constant 0 : index
    tpu.barrier barrier_id(%barrier3A_5)
    %eq3A_6 = arith.constant 0 : i32
    %eq3A_7 = arith.cmpi eq, %arg1, %eq3A_6 : i32
    %convert_element_type3A_8 = arith.extui %eq3A_7 : i1 to i32
    %cond3A_9 = arith.constant 0 : i32
    %cond3A_10 = arith.cmpi ne, %convert_element_type3A_8, %cond3A_9 : i32
    scf.if %cond3A_10 {
      "tpu.region"() ({
        %run_scoped3A = tpu.sem_alloc : memref<!tpu.dma_semaphore, #tpu.memory_space<semaphore_mem>>
        %dma_start3A = arith.constant 0 : i32
        %dma_start3A_11 = arith.constant 0 : i32
        %dma_start3A_12 = tpu.memref_slice %arg5[%arg0, %dma_start3A, %dma_start3A_11] : memref<2x10000x8xf32, #tpu.memory_space<hbm>> -> memref<1x10000x8xf32, #tpu.memory_space<hbm>>
        %dma_start3A_13 = tpu.memref_squeeze %dma_start3A_12 : memref<1x10000x8xf32, #tpu.memory_space<hbm>> -> memref<10000x8xf32, #tpu.memory_space<hbm>>
        tpu.enqueue_dma source(%arg8 : memref<10000x8xf32, #tpu.memory_space<vmem_shared>>) target(%dma_start3A_13 : memref<10000x8xf32, #tpu.memory_space<hbm>>) target_semaphore(%run_scoped3A : memref<!tpu.dma_semaphore, #tpu.memory_space<semaphore_mem>>)
        %dma_wait3A = arith.constant 0 : i32
        %dma_wait3A_14 = arith.constant 0 : i32
        %dma_wait3A_15 = tpu.memref_slice %arg5[%arg0, %dma_wait3A, %dma_wait3A_14] : memref<2x10000x8xf32, #tpu.memory_space<hbm>> -> memref<1x10000x8xf32, #tpu.memory_space<hbm>>
        %dma_wait3A_16 = tpu.memref_squeeze %dma_wait3A_15 : memref<1x10000x8xf32, #tpu.memory_space<hbm>> -> memref<10000x8xf32, #tpu.memory_space<hbm>>
        tpu.wait_dma2 semaphore(%run_scoped3A : memref<!tpu.dma_semaphore, #tpu.memory_space<semaphore_mem>>) src(%arg8 : memref<10000x8xf32, #tpu.memory_space<vmem_shared>>) dst(%dma_wait3A_16 : memref<10000x8xf32, #tpu.memory_space<hbm>>)
        tpu.yield
      }) : () -> ()
    } else {
    }
    return
  }
}

module attributes {stable_mosaic.version = 14 : i64} {
  func.func @_pre_body(%arg0: memref<10000x128xf32, #tpu.memory_space<vmem>>, %arg1: memref<128x8xf32, #tpu.memory_space<vmem>>, %arg2: memref<1x8xf32, #tpu.memory_space<vmem>>, %arg3: memref<10000x8xf32, #tpu.memory_space<vmem>>) attributes {dimension_semantics = [], scalar_prefetch = 0 : i64, scratch_operands = 0 : i64, tpu.core_type = #tpu.core_type<tc>} {
    %get3A = arith.constant 0 : index
    %get3A_0 = arith.constant 0 : index
    %get3A_1 = vector.load %arg0[%get3A, %get3A_0] : memref<10000x128xf32, #tpu.memory_space<vmem>>, vector<10000x128xf32>
    %get3A_2 = arith.constant 0 : index
    %get3A_3 = arith.constant 0 : index
    %get3A_4 = vector.load %arg1[%get3A_2, %get3A_3] : memref<128x8xf32, #tpu.memory_space<vmem>>, vector<128x8xf32>
    %dot_general3A = arith.constant dense<0.000000e+00> : vector<10000x8xf32>
    %dot_general3A_5 = tpu.matmul %get3A_1, %get3A_4, %dot_general3A {dimension_numbers = #tpu.dot_dimension_numbers<[1], [0], [0], [1], [0, 0, 1, 1], [], []>, transpose_lhs_hint = false} : vector<10000x128xf32>, vector<128x8xf32>, vector<10000x8xf32> -> vector<10000x8xf32>
    %get3A_6 = arith.constant 0 : index
    %get3A_7 = arith.constant 0 : index
    %get3A_8 = vector.load %arg2[%get3A_6, %get3A_7] : memref<1x8xf32, #tpu.memory_space<vmem>>, vector<1x8xf32>
    %add3A = vector.broadcast %get3A_8 : vector<1x8xf32> to vector<10000x8xf32>
    %add3A_9 = arith.addf %dot_general3A_5, %add3A : vector<10000x8xf32>
    %max3A = arith.constant 0.000000e+00 : f32
    %max3A_10 = vector.broadcast %max3A : f32 to vector<10000x8xf32>
    %max3A_11 = arith.maximumf %add3A_9, %max3A_10 : vector<10000x8xf32>
    %swap3A = arith.constant 0 : index
    %swap3A_12 = arith.constant 0 : index
    %swap3A_13 = vector.load %arg3[%swap3A, %swap3A_12] : memref<10000x8xf32, #tpu.memory_space<vmem>>, vector<10000x8xf32>
    tpu.vector_store %arg3[%swap3A, %swap3A_12], %max3A_11 {strides = array<i32>} : memref<10000x8xf32, #tpu.memory_space<vmem>>, vector<10000x8xf32>,
    return
  }
}

module attributes {stable_mosaic.version = 14 : i64} {
  func.func @_msg_body(%arg0: i32, %arg1: memref<2000x128xf32, #tpu.memory_space<vmem>>, %arg2: memref<2000x64xf32, #tpu.memory_space<vmem>>, %arg3: memref<128x128xf32, #tpu.memory_space<vmem>>, %arg4: memref<1x128xf32, #tpu.memory_space<vmem>>, %arg5: memref<128x512xf32, #tpu.memory_space<vmem>>, %arg6: memref<1x512xf32, #tpu.memory_space<vmem>>, %arg7: memref<64x512xf32, #tpu.memory_space<vmem>>, %arg8: memref<512x64xf32, #tpu.memory_space<vmem>>, %arg9: memref<2000x64xf32, #tpu.memory_space<vmem>>) attributes {dimension_semantics = [#tpu.dimension_semantics<arbitrary>], iteration_bounds = array<i64: 20>, scalar_prefetch = 0 : i64, scratch_operands = 0 : i64, tpu.core_type = #tpu.core_type<tc>, window_params = [{transform_indices = @transform_0, window_bounds = array<i64: 2000, 128>}, {transform_indices = @transform_1, window_bounds = array<i64: 2000, 64>}, {pipeline_mode = #tpu.pipeline_mode<synchronous>, transform_indices = @transform_2, window_bounds = array<i64: 128, 128>}, {pipeline_mode = #tpu.pipeline_mode<synchronous>, transform_indices = @transform_3, window_bounds = array<i64: 1, 128>}, {pipeline_mode = #tpu.pipeline_mode<synchronous>, transform_indices = @transform_4, window_bounds = array<i64: 128, 512>}, {pipeline_mode = #tpu.pipeline_mode<synchronous>, transform_indices = @transform_5, window_bounds = array<i64: 1, 512>}, {pipeline_mode = #tpu.pipeline_mode<synchronous>, transform_indices = @transform_6, window_bounds = array<i64: 64, 512>}, {pipeline_mode = #tpu.pipeline_mode<synchronous>, transform_indices = @transform_7, window_bounds = array<i64: 512, 64>}, {transform_indices = @transform_8, window_bounds = array<i64: 2000, 64>}]} {
    %get3A = arith.constant 0 : index
    %get3A_0 = arith.constant 0 : index
    %get3A_1 = vector.load %arg1[%get3A, %get3A_0] : memref<2000x128xf32, #tpu.memory_space<vmem>>, vector<2000x128xf32>
    %get3A_2 = arith.constant 0 : index
    %get3A_3 = arith.constant 0 : index
    %get3A_4 = vector.load %arg3[%get3A_2, %get3A_3] : memref<128x128xf32, #tpu.memory_space<vmem>>, vector<128x128xf32>
    %dot_general3A = arith.constant dense<0.000000e+00> : vector<2000x128xf32>
    %dot_general3A_5 = tpu.matmul %get3A_1, %get3A_4, %dot_general3A {dimension_numbers = #tpu.dot_dimension_numbers<[1], [0], [0], [1], [0, 0, 1, 1], [], []>, transpose_lhs_hint = false} : vector<2000x128xf32>, vector<128x128xf32>, vector<2000x128xf32> -> vector<2000x128xf32>
    %get3A_6 = arith.constant 0 : index
    %get3A_7 = arith.constant 0 : index
    %get3A_8 = vector.load %arg4[%get3A_6, %get3A_7] : memref<1x128xf32, #tpu.memory_space<vmem>>, vector<1x128xf32>
    %add3A = vector.broadcast %get3A_8 : vector<1x128xf32> to vector<2000x128xf32>
    %add3A_9 = arith.addf %dot_general3A_5, %add3A : vector<2000x128xf32>
    %max3A = arith.constant 0.000000e+00 : f32
    %max3A_10 = vector.broadcast %max3A : f32 to vector<2000x128xf32>
    %max3A_11 = arith.maximumf %add3A_9, %max3A_10 : vector<2000x128xf32>
    %get3A_12 = arith.constant 0 : index
    %get3A_13 = arith.constant 0 : index
    %get3A_14 = vector.load %arg5[%get3A_12, %get3A_13] : memref<128x512xf32, #tpu.memory_space<vmem>>, vector<128x512xf32>
    %dot_general3A_15 = arith.constant dense<0.000000e+00> : vector<2000x512xf32>
    %dot_general3A_16 = tpu.matmul %max3A_11, %get3A_14, %dot_general3A_15 {dimension_numbers = #tpu.dot_dimension_numbers<[1], [0], [0], [1], [0, 0, 1, 1], [], []>, transpose_lhs_hint = false} : vector<2000x128xf32>, vector<128x512xf32>, vector<2000x512xf32> -> vector<2000x512xf32>
    %get3A_17 = arith.constant 0 : index
    %get3A_18 = arith.constant 0 : index
    %get3A_19 = vector.load %arg6[%get3A_17, %get3A_18] : memref<1x512xf32, #tpu.memory_space<vmem>>, vector<1x512xf32>
    %add3A_20 = vector.broadcast %get3A_19 : vector<1x512xf32> to vector<2000x512xf32>
    %add3A_21 = arith.addf %dot_general3A_16, %add3A_20 : vector<2000x512xf32>
    %get3A_22 = arith.constant 0 : index
    %get3A_23 = arith.constant 0 : index
    %get3A_24 = vector.load %arg2[%get3A_22, %get3A_23] : memref<2000x64xf32, #tpu.memory_space<vmem>>, vector<2000x64xf32>
    %get3A_25 = arith.constant 0 : index
    %get3A_26 = arith.constant 0 : index
    %get3A_27 = vector.load %arg7[%get3A_25, %get3A_26] : memref<64x512xf32, #tpu.memory_space<vmem>>, vector<64x512xf32>
    %dot_general3A_28 = arith.constant dense<0.000000e+00> : vector<2000x512xf32>
    %dot_general3A_29 = tpu.matmul %get3A_24, %get3A_27, %dot_general3A_28 {dimension_numbers = #tpu.dot_dimension_numbers<[1], [0], [0], [1], [0, 0, 1, 1], [], []>, transpose_lhs_hint = false} : vector<2000x64xf32>, vector<64x512xf32>, vector<2000x512xf32> -> vector<2000x512xf32>
    %mul3A = arith.mulf %dot_general3A_29, %add3A_21 : vector<2000x512xf32>
    %get3A_30 = arith.constant 0 : index
    %get3A_31 = arith.constant 0 : index
    %get3A_32 = vector.load %arg8[%get3A_30, %get3A_31] : memref<512x64xf32, #tpu.memory_space<vmem>>, vector<512x64xf32>
    %dot_general3A_33 = arith.constant dense<0.000000e+00> : vector<2000x64xf32>
    %dot_general3A_34 = tpu.matmul %mul3A, %get3A_32, %dot_general3A_33 {dimension_numbers = #tpu.dot_dimension_numbers<[1], [0], [0], [1], [0, 0, 1, 1], [], []>, transpose_lhs_hint = false} : vector<2000x512xf32>, vector<512x64xf32>, vector<2000x64xf32> -> vector<2000x64xf32>
    %swap3A = arith.constant 0 : index
    %swap3A_35 = arith.constant 0 : index
    %swap3A_36 = vector.load %arg9[%swap3A, %swap3A_35] : memref<2000x64xf32, #tpu.memory_space<vmem>>, vector<2000x64xf32>
    tpu.vector_store %arg9[%swap3A, %swap3A_35], %dot_general3A_34 {strides = array<i32>} : memref<2000x64xf32, #tpu.memory_space<vmem>>, vector<2000x64xf32>,
    return
  }
  func.func @transform_0(%arg0: i32) -> (i32, i32) {
    %c0_i32 = arith.constant 0 : i32
    %c0_i32_0 = arith.constant 0 : i32
    return %arg0, %c0_i32 : i32, i32
  }
  func.func @transform_1(%arg0: i32) -> (i32, i32) {
    %c0_i32 = arith.constant 0 : i32
    %c0_i32_0 = arith.constant 0 : i32
    return %arg0, %c0_i32 : i32, i32
  }
  func.func @transform_2(%arg0: i32) -> (i32, i32) {
    %c0_i32 = arith.constant 0 : i32
    %c0_i32_0 = arith.constant 0 : i32
    %c0_i32_1 = arith.constant 0 : i32
    return %c0_i32, %c0_i32_0 : i32, i32
  }
  func.func @transform_3(%arg0: i32) -> (i32, i32) {
    %c0_i32 = arith.constant 0 : i32
    %c0_i32_0 = arith.constant 0 : i32
    %c0_i32_1 = arith.constant 0 : i32
    return %c0_i32, %c0_i32_0 : i32, i32
  }
  func.func @transform_4(%arg0: i32) -> (i32, i32) {
    %c0_i32 = arith.constant 0 : i32
    %c0_i32_0 = arith.constant 0 : i32
    %c0_i32_1 = arith.constant 0 : i32
    return %c0_i32, %c0_i32_0 : i32, i32
  }
  func.func @transform_5(%arg0: i32) -> (i32, i32) {
    %c0_i32 = arith.constant 0 : i32
    %c0_i32_0 = arith.constant 0 : i32
    %c0_i32_1 = arith.constant 0 : i32
    return %c0_i32, %c0_i32_0 : i32, i32
  }
  func.func @transform_6(%arg0: i32) -> (i32, i32) {
    %c0_i32 = arith.constant 0 : i32
    %c0_i32_0 = arith.constant 0 : i32
    %c0_i32_1 = arith.constant 0 : i32
    return %c0_i32, %c0_i32_0 : i32, i32
  }
  func.func @transform_7(%arg0: i32) -> (i32, i32) {
    %c0_i32 = arith.constant 0 : i32
    %c0_i32_0 = arith.constant 0 : i32
    %c0_i32_1 = arith.constant 0 : i32
    return %c0_i32, %c0_i32_0 : i32, i32
  }
  func.func @transform_8(%arg0: i32) -> (i32, i32) {
    %c0_i32 = arith.constant 0 : i32
    %c0_i32_0 = arith.constant 0 : i32
    return %arg0, %c0_i32 : i32, i32
  }
}

module attributes {stable_mosaic.version = 14 : i64} {
  func.func @_node_body(%arg0: memref<2x10000x8xf32, #tpu.memory_space<vmem>>, %arg1: memref<10000x8xf32, #tpu.memory_space<vmem>>, %arg2: memref<8x8xf32, #tpu.memory_space<vmem>>, %arg3: memref<1x8xf32, #tpu.memory_space<vmem>>, %arg4: memref<8x24xf32, #tpu.memory_space<vmem>>, %arg5: memref<1x24xf32, #tpu.memory_space<vmem>>, %arg6: memref<8x24xf32, #tpu.memory_space<vmem>>, %arg7: memref<1x24xf32, #tpu.memory_space<vmem>>, %arg8: memref<10000x8xf32, #tpu.memory_space<vmem>>) attributes {dimension_semantics = [], scalar_prefetch = 0 : i64, scratch_operands = 0 : i64, tpu.core_type = #tpu.core_type<tc>} {
    %get3A = arith.constant 0 : index
    %get3A_0 = arith.constant 0 : index
    %get3A_1 = arith.constant 0 : index
    %get3A_2 = vector.load %arg0[%get3A, %get3A_0, %get3A_1] : memref<2x10000x8xf32, #tpu.memory_space<vmem>>, vector<1x10000x8xf32>
    %get3A_3 = vector.shape_cast %get3A_2 : vector<1x10000x8xf32> to vector<10000x8xf32>
    %get3A_4 = arith.constant 1 : index
    %get3A_5 = arith.constant 0 : index
    %get3A_6 = arith.constant 0 : index
    %get3A_7 = vector.load %arg0[%get3A_4, %get3A_5, %get3A_6] : memref<2x10000x8xf32, #tpu.memory_space<vmem>>, vector<1x10000x8xf32>
    %get3A_8 = vector.shape_cast %get3A_7 : vector<1x10000x8xf32> to vector<10000x8xf32>
    %add3A = arith.addf %get3A_3, %get3A_8 : vector<10000x8xf32>
    %get3A_9 = arith.constant 0 : index
    %get3A_10 = arith.constant 0 : index
    %get3A_11 = vector.load %arg1[%get3A_9, %get3A_10] : memref<10000x8xf32, #tpu.memory_space<vmem>>, vector<10000x8xf32>
    %get3A_12 = arith.constant 0 : index
    %get3A_13 = arith.constant 0 : index
    %get3A_14 = vector.load %arg2[%get3A_12, %get3A_13] : memref<8x8xf32, #tpu.memory_space<vmem>>, vector<8x8xf32>
    %dot_general3A = arith.constant dense<0.000000e+00> : vector<10000x8xf32>
    %dot_general3A_15 = tpu.matmul %get3A_11, %get3A_14, %dot_general3A {dimension_numbers = #tpu.dot_dimension_numbers<[1], [0], [0], [1], [0, 0, 1, 1], [], []>, transpose_lhs_hint = false} : vector<10000x8xf32>, vector<8x8xf32>, vector<10000x8xf32> -> vector<10000x8xf32>
    %add3A_16 = arith.addf %add3A, %dot_general3A_15 : vector<10000x8xf32>
    %get3A_17 = arith.constant 0 : index
    %get3A_18 = arith.constant 0 : index
    %get3A_19 = vector.load %arg3[%get3A_17, %get3A_18] : memref<1x8xf32, #tpu.memory_space<vmem>>, vector<1x8xf32>
    %add3A_20 = vector.broadcast %get3A_19 : vector<1x8xf32> to vector<10000x8xf32>
    %add3A_21 = arith.addf %add3A_16, %add3A_20 : vector<10000x8xf32>
    %max3A = arith.constant 0.000000e+00 : f32
    %max3A_22 = vector.broadcast %max3A : f32 to vector<10000x8xf32>
    %max3A_23 = arith.maximumf %add3A_21, %max3A_22 : vector<10000x8xf32>
    %get3A_24 = arith.constant 0 : index
    %get3A_25 = arith.constant 0 : index
    %get3A_26 = vector.load %arg4[%get3A_24, %get3A_25] : memref<8x24xf32, #tpu.memory_space<vmem>>, vector<8x24xf32>
    %dot_general3A_27 = arith.constant dense<0.000000e+00> : vector<10000x24xf32>
    %dot_general3A_28 = tpu.matmul %max3A_23, %get3A_26, %dot_general3A_27 {dimension_numbers = #tpu.dot_dimension_numbers<[1], [0], [0], [1], [0, 0, 1, 1], [], []>, transpose_lhs_hint = false} : vector<10000x8xf32>, vector<8x24xf32>, vector<10000x24xf32> -> vector<10000x24xf32>
    %get3A_29 = arith.constant 0 : index
    %get3A_30 = arith.constant 0 : index
    %get3A_31 = vector.load %arg5[%get3A_29, %get3A_30] : memref<1x24xf32, #tpu.memory_space<vmem>>, vector<1x24xf32>
    %add3A_32 = vector.broadcast %get3A_31 : vector<1x24xf32> to vector<10000x24xf32>
    %add3A_33 = arith.addf %dot_general3A_28, %add3A_32 : vector<10000x24xf32>
    %get3A_34 = arith.constant 0 : index
    %get3A_35 = arith.constant 0 : index
    %get3A_36 = vector.load %arg6[%get3A_34, %get3A_35] : memref<8x24xf32, #tpu.memory_space<vmem>>, vector<8x24xf32>
    %dot_general3A_37 = arith.constant dense<0.000000e+00> : vector<10000x24xf32>
    %dot_general3A_38 = tpu.matmul %get3A_11, %get3A_36, %dot_general3A_37 {dimension_numbers = #tpu.dot_dimension_numbers<[1], [0], [0], [1], [0, 0, 1, 1], [], []>, transpose_lhs_hint = false} : vector<10000x8xf32>, vector<8x24xf32>, vector<10000x24xf32> -> vector<10000x24xf32>
    %get3A_39 = arith.constant 0 : index
    %get3A_40 = arith.constant 0 : index
    %get3A_41 = vector.load %arg7[%get3A_39, %get3A_40] : memref<1x24xf32, #tpu.memory_space<vmem>>, vector<1x24xf32>
    %add3A_42 = vector.broadcast %get3A_41 : vector<1x24xf32> to vector<10000x24xf32>
    %add3A_43 = arith.addf %dot_general3A_38, %add3A_42 : vector<10000x24xf32>
    %slice3A = vector.extract_strided_slice %add3A_33 {offsets = [0, 0], sizes = [10000, 8], strides = [1, 1]} : vector<10000x24xf32> to vector<10000x8xf32>
    %slice3A_44 = vector.extract_strided_slice %add3A_43 {offsets = [0, 0], sizes = [10000, 8], strides = [1, 1]} : vector<10000x24xf32> to vector<10000x8xf32>
    %add3A_45 = arith.addf %slice3A, %slice3A_44 : vector<10000x8xf32>
    %logistic3A = arith.negf %add3A_45 : vector<10000x8xf32>
    %logistic3A_46 = math.exp %logistic3A : vector<10000x8xf32>
    %logistic3A_47 = arith.constant 1.000000e+00 : f32
    %logistic3A_48 = vector.broadcast %logistic3A_47 : f32 to vector<10000x8xf32>
    %logistic3A_49 = arith.addf %logistic3A_48, %logistic3A_46 : vector<10000x8xf32>
    %logistic3A_50 = arith.divf %logistic3A_48, %logistic3A_49 : vector<10000x8xf32>
    %slice3A_51 = vector.extract_strided_slice %add3A_33 {offsets = [0, 8], sizes = [10000, 8], strides = [1, 1]} : vector<10000x24xf32> to vector<10000x8xf32>
    %slice3A_52 = vector.extract_strided_slice %add3A_43 {offsets = [0, 8], sizes = [10000, 8], strides = [1, 1]} : vector<10000x24xf32> to vector<10000x8xf32>
    %add3A_53 = arith.addf %slice3A_51, %slice3A_52 : vector<10000x8xf32>
    %logistic3A_54 = arith.negf %add3A_53 : vector<10000x8xf32>
    %logistic3A_55 = math.exp %logistic3A_54 : vector<10000x8xf32>
    %logistic3A_56 = arith.constant 1.000000e+00 : f32
    %logistic3A_57 = vector.broadcast %logistic3A_56 : f32 to vector<10000x8xf32>
    %logistic3A_58 = arith.addf %logistic3A_57, %logistic3A_55 : vector<10000x8xf32>
    %logistic3A_59 = arith.divf %logistic3A_57, %logistic3A_58 : vector<10000x8xf32>
    %slice3A_60 = vector.extract_strided_slice %add3A_33 {offsets = [0, 16], sizes = [10000, 8], strides = [1, 1]} : vector<10000x24xf32> to vector<10000x8xf32>
    %slice3A_61 = vector.extract_strided_slice %add3A_43 {offsets = [0, 16], sizes = [10000, 8], strides = [1, 1]} : vector<10000x24xf32> to vector<10000x8xf32>
    %mul3A = arith.mulf %logistic3A_50, %slice3A_61 : vector<10000x8xf32>
    %add3A_62 = arith.addf %slice3A_60, %mul3A : vector<10000x8xf32>
    %tanh3A = math.tanh %add3A_62 : vector<10000x8xf32>
    %sub3A = arith.constant 1.000000e+00 : f32
    %sub3A_63 = vector.broadcast %sub3A : f32 to vector<10000x8xf32>
    %sub3A_64 = arith.subf %sub3A_63, %logistic3A_59 : vector<10000x8xf32>
    %mul3A_65 = arith.mulf %sub3A_64, %tanh3A : vector<10000x8xf32>
    %mul3A_66 = arith.mulf %logistic3A_59, %get3A_11 : vector<10000x8xf32>
    %add3A_67 = arith.addf %mul3A_65, %mul3A_66 : vector<10000x8xf32>
    %swap3A = arith.constant 0 : index
    %swap3A_68 = arith.constant 0 : index
    %swap3A_69 = vector.load %arg8[%swap3A, %swap3A_68] : memref<10000x8xf32, #tpu.memory_space<vmem>>, vector<10000x8xf32>
    tpu.vector_store %arg8[%swap3A, %swap3A_68], %add3A_67 {strides = array<i32>} : memref<10000x8xf32, #tpu.memory_space<vmem>>, vector<10000x8xf32>,
    return
  }
}

module attributes {stable_mosaic.version = 14 : i64} {
  func.func @_read_body(%arg0: memref<10000x8xf32, #tpu.memory_space<vmem>>, %arg1: memref<10000x1xi32, #tpu.memory_space<vmem>>, %arg2: memref<8x8xf32, #tpu.memory_space<vmem>>, %arg3: memref<1x8xf32, #tpu.memory_space<vmem>>, %arg4: memref<8x8xf32, #tpu.memory_space<vmem>>, %arg5: memref<1x8xf32, #tpu.memory_space<vmem>>, %arg6: memref<8x1xf32, #tpu.memory_space<vmem>>, %arg7: memref<1x1xf32, #tpu.memory_space<vmem>>, %arg8: memref<64x1xf32, #tpu.memory_space<vmem>>) attributes {dimension_semantics = [], scalar_prefetch = 0 : i64, scratch_operands = 0 : i64, tpu.core_type = #tpu.core_type<tc>} {
    %get3A = arith.constant 0 : index
    %get3A_0 = arith.constant 0 : index
    %get3A_1 = vector.load %arg0[%get3A, %get3A_0] : memref<10000x8xf32, #tpu.memory_space<vmem>>, vector<10000x8xf32>
    %get3A_2 = arith.constant 0 : index
    %get3A_3 = arith.constant 0 : index
    %get3A_4 = vector.load %arg2[%get3A_2, %get3A_3] : memref<8x8xf32, #tpu.memory_space<vmem>>, vector<8x8xf32>
    %dot_general3A = arith.constant dense<0.000000e+00> : vector<10000x8xf32>
    %dot_general3A_5 = tpu.matmul %get3A_1, %get3A_4, %dot_general3A {dimension_numbers = #tpu.dot_dimension_numbers<[1], [0], [0], [1], [0, 0, 1, 1], [], []>, transpose_lhs_hint = false} : vector<10000x8xf32>, vector<8x8xf32>, vector<10000x8xf32> -> vector<10000x8xf32>
    %get3A_6 = arith.constant 0 : index
    %get3A_7 = arith.constant 0 : index
    %get3A_8 = vector.load %arg3[%get3A_6, %get3A_7] : memref<1x8xf32, #tpu.memory_space<vmem>>, vector<1x8xf32>
    %add3A = vector.broadcast %get3A_8 : vector<1x8xf32> to vector<10000x8xf32>
    %add3A_9 = arith.addf %dot_general3A_5, %add3A : vector<10000x8xf32>
    %max3A = arith.constant 0.000000e+00 : f32
    %max3A_10 = vector.broadcast %max3A : f32 to vector<10000x8xf32>
    %max3A_11 = arith.maximumf %add3A_9, %max3A_10 : vector<10000x8xf32>
    %get3A_12 = arith.constant 0 : index
    %get3A_13 = arith.constant 0 : index
    %get3A_14 = vector.load %arg4[%get3A_12, %get3A_13] : memref<8x8xf32, #tpu.memory_space<vmem>>, vector<8x8xf32>
    %dot_general3A_15 = arith.constant dense<0.000000e+00> : vector<10000x8xf32>
    %dot_general3A_16 = tpu.matmul %max3A_11, %get3A_14, %dot_general3A_15 {dimension_numbers = #tpu.dot_dimension_numbers<[1], [0], [0], [1], [0, 0, 1, 1], [], []>, transpose_lhs_hint = false} : vector<10000x8xf32>, vector<8x8xf32>, vector<10000x8xf32> -> vector<10000x8xf32>
    %get3A_17 = arith.constant 0 : index
    %get3A_18 = arith.constant 0 : index
    %get3A_19 = vector.load %arg5[%get3A_17, %get3A_18] : memref<1x8xf32, #tpu.memory_space<vmem>>, vector<1x8xf32>
    %add3A_20 = vector.broadcast %get3A_19 : vector<1x8xf32> to vector<10000x8xf32>
    %add3A_21 = arith.addf %dot_general3A_16, %add3A_20 : vector<10000x8xf32>
    %get3A_22 = arith.constant 0 : index
    %get3A_23 = arith.constant 0 : index
    %get3A_24 = vector.load %arg1[%get3A_22, %get3A_23] : memref<10000x1xi32, #tpu.memory_space<vmem>>, vector<10000x1xi32>
    %iota3A = tpu.iota {dimensions = array<i32: 1>} : vector<10000x64xi32>
    %eq3A = vector.broadcast %get3A_24 : vector<10000x1xi32> to vector<10000x64xi32>
    %eq3A_25 = arith.cmpi eq, %eq3A, %iota3A : vector<10000x64xi32>
    %convert_element_type3A = arith.extui %eq3A_25 : vector<10000x64xi1> to vector<10000x64xi32>
    %convert_element_type3A_26 = arith.sitofp %convert_element_type3A : vector<10000x64xi32> to vector<10000x64xf32>
    %dot_general3A_27 = arith.constant dense<0.000000e+00> : vector<64x8xf32>
    %dot_general3A_28 = tpu.matmul %convert_element_type3A_26, %add3A_21, %dot_general3A_27 {dimension_numbers = #tpu.dot_dimension_numbers<[0], [0], [1], [1], [0, 1, 1, 1], [], []>, transpose_lhs_hint = false} : vector<10000x64xf32>, vector<10000x8xf32>, vector<64x8xf32> -> vector<64x8xf32>
    %broadcast_in_dim3A = arith.constant 1.000000e+00 : f32
    %broadcast_in_dim3A_29 = vector.broadcast %broadcast_in_dim3A : f32 to vector<10000x1xf32>
    %dot_general3A_30 = arith.constant dense<0.000000e+00> : vector<64x1xf32>
    %dot_general3A_31 = tpu.matmul %convert_element_type3A_26, %broadcast_in_dim3A_29, %dot_general3A_30 {dimension_numbers = #tpu.dot_dimension_numbers<[0], [0], [1], [1], [0, 1, 1, 1], [], []>, transpose_lhs_hint = false} : vector<10000x64xf32>, vector<10000x1xf32>, vector<64x1xf32> -> vector<64x1xf32>
    %max3A_32 = arith.constant 1.000000e+00 : f32
    %max3A_33 = vector.broadcast %max3A_32 : f32 to vector<64x1xf32>
    %max3A_34 = arith.maximumf %dot_general3A_31, %max3A_33 : vector<64x1xf32>
    %div3A = vector.broadcast %max3A_34 : vector<64x1xf32> to vector<64x8xf32>
    %div3A_35 = arith.divf %dot_general3A_28, %div3A : vector<64x8xf32>
    %get3A_36 = arith.constant 0 : index
    %get3A_37 = arith.constant 0 : index
    %get3A_38 = vector.load %arg6[%get3A_36, %get3A_37] : memref<8x1xf32, #tpu.memory_space<vmem>>, vector<8x1xf32>
    %dot_general3A_39 = arith.constant dense<0.000000e+00> : vector<64x1xf32>
    %dot_general3A_40 = tpu.matmul %div3A_35, %get3A_38, %dot_general3A_39 {dimension_numbers = #tpu.dot_dimension_numbers<[1], [0], [0], [1], [0, 0, 1, 1], [], []>, transpose_lhs_hint = false} : vector<64x8xf32>, vector<8x1xf32>, vector<64x1xf32> -> vector<64x1xf32>
    %get3A_41 = arith.constant 0 : index
    %get3A_42 = arith.constant 0 : index
    %get3A_43 = vector.load %arg7[%get3A_41, %get3A_42] : memref<1x1xf32, #tpu.memory_space<vmem>>, vector<1x1xf32>
    %add3A_44 = vector.broadcast %get3A_43 : vector<1x1xf32> to vector<64x1xf32>
    %add3A_45 = arith.addf %dot_general3A_40, %add3A_44 : vector<64x1xf32>
    %swap3A = arith.constant 0 : index
    %swap3A_46 = arith.constant 0 : index
    %swap3A_47 = vector.load %arg8[%swap3A, %swap3A_46] : memref<64x1xf32, #tpu.memory_space<vmem>>, vector<64x1xf32>
    tpu.vector_store %arg8[%swap3A, %swap3A_46], %add3A_45 {strides = array<i32>} : memref<64x1xf32, #tpu.memory_space<vmem>>, vector<64x1xf32>,
    return
  }
}

</mosaic_0001>

<sc_bundles>
// kernel: kernel.16.cloned.1.call-start
scs
__scs_entry_jumppad:
0x0: {  	(pc) =	sbr.rel $0x88, $3  }
0x1: {  	(tag) =	ssettag $0x0;
	lr =	simm.s32 $0x1  }
0x2: {  	[smem:$0x3F8B] =	sst lr;
	_ =	strace $0xD0000000  }
0x3: {  	_ = 	snop  }
0x4: {  	_ = 	snop  }
0x5: {  	_ = 	snop  }
0x6: {  	_ = 	snop  }
0x7: {  	_ = 	snop  }
__scs_overlays_trampoline_lowered:
0x8: {  	[smem:$0x3F9A] =	sst s0  }
0x9: {  	[smem:$0x3F9B] =	sst s1  }
0xa: {  	[smem:$0x3F9C] =	sst s2  }
0xb: {  	[smem:$0x3F9D] =	sst s3  }
0xc: {  	[smem:$0x3F9E] =	sst s4  }
0xd: {  	[smem:$0x3F9F] =	sst s5  }
0xe: {  	[smem:$0x3FA0] =	sst s6  }
0xf: {  	[smem:$0x3FA1] =	sst s7  }
0x10: {  	[smem:$0x3FA2] =	sst s8  }
0x11: {  	[smem:$0x3FA3] =	sst s9;
	s0 =	simm.s32 @!p0 $0x0  }
0x12: {  	s1 =	sld [smem:$0x3F89];
	s0 =	simm.s32 @p0 $0x1  }
0x13: {  	[smem:$0x3FA4] =	sst s0;
	s0 =	simm.s32 @!p1 $0x0  }
0x14: {  	s2 =	sld [smem:$0x3F88];
	s0 =	simm.s32 @p1 $0x1  }
0x15: {  	[smem:$0x3FA5] =	sst s0;
	s0 =	simm.s32 @!p2 $0x0  }
0x16: {  	s3 =	sld [smem:$0x3FDB];
	s0 =	simm.s32 @p2 $0x1  }
0x17: {  	s4 =	simm.s32 $0x1BF5;
	[smem:$0x3FA7] =	sst s0  }
0x18: {  	s0 =	sld [smem:$0x3F8A];
	_ =	swait.ge [sflag:s4], $0x0  }
0x19: {  	s7 =	sld [smem:$0x3F8B]  }
0x1a: {  	s8 =	sadd.s32 $0xFFFFE003, lr  }
0x1b: {  	s9 =	sadd.s32 $0xFFFFFEF7, lr;
	s5 =	simm.s32 $0xFFFFFFFF;
	p2 =	slt.u32 s8, $0xFFFFF086  }
0x1c: {  	p1 =	slt.u32 s9, $0xF7A;
	s5 =	simm.s32 @!p2 $0x0  }
0x1d: {  	s5 =	simm.s32 @p1 $0x1;
	p0 =	seq.s32 s7, s2  }
0x1e: {  	s7 =	smul.u32 @!p0 $0xF7A, s2;
	p2 =	seq.s32 @!p0 s5, $0x0  }
0x1f: {  	s9 =	smul.u32 $0xF7A, s1;
	s8 =	simm.s32 @!p0 $0x1BF5;
	p2 =	por !p2, p0  }
0x20: {  	[sflag:s8] =	ssyncset.s32 @!p0 $0xFFFFF086;
	s6 =	sadd.s32 @!p0 s3, s7;
	s7 =	simm.s32 @!p0 $0x108  }
0x21: {  	s3 =	sadd.s32 s3, s9;
	s6 =	sadd.s32 @!p0 $0x88, s6;
	s7 =	simm.s32 @p2 $0x1082  }
0x22: {  	[simem:s7], [sflag:s8] =	dma.local @!p0 [hbm:s6], $0xF7A  }
0x23: {  	s9 =	sor.u32 $0xD0000000, s2;
	s6 =	simm.s32 $0x108;
	_ =	swait.ge @!p0 [sflag:s8], $0x0  }
0x24: {  	s3 =	sadd.s32 $0x88, s3;
	s6 =	simm.s32 @!p1 $0x1082;
	[sflag:s4] =	ssyncset.s32 $0xFFFFF086  }
0x25: {  	[simem:s6], [sflag:s4] =	dma.local [hbm:s3], $0xF7A  }
0x26: {  	[smem:$0x3F8B] =	sst s1;
	(tag) =	ssettag s2;
	_ =	strace s9  }
0x27: {  	s1 =	sld [smem:$0x3F9B]  }
0x28: {  	s2 =	sld [smem:$0x3F9C]  }
0x29: {  	s4 =	sld [smem:$0x3F9E]  }
0x2a: {  	p0 =	seq.s32 s5, $0x0;
	s5 =	sld [smem:$0x3F9F]  }
0x2b: {  	s6 =	sld [smem:$0x3FA0]  }
0x2c: {  	s7 =	sld [smem:$0x3FA1]  }
0x2d: {  	s3 =	simm.s32 $0x108;
	s8 =	sld [smem:$0x3FA2]  }
0x2e: {  	s3 =	simm.s32 @!p0 $0x1082;
	s9 =	sld [smem:$0x3FA3]  }
0x2f: {  	lr =	sadd.s32 s0, s3;
	s0 =	sld [smem:$0x3F9A]  }
0x30: {  	s3 =	sld [smem:$0x3F9D]  }
0x31: {  	[smem:$0x3FA6] =	sst s10  }
0x32: {  	s10 =	sld [smem:$0x3FA4];
	_ =	sdelay $0x3  }
0x33: {  	p0 =	seq.s32 s10, $0x1;
	s10 =	sld [smem:$0x3FA6];
	_ =	sdelay $0x3  }
0x34: {  	[smem:$0x3FA6] =	sst s10  }
0x35: {  	s10 =	sld [smem:$0x3FA5];
	_ =	sdelay $0x3  }
0x36: {  	p1 =	seq.s32 s10, $0x1;
	s10 =	sld [smem:$0x3FA6];
	_ =	sdelay $0x3  }
0x37: {  	[smem:$0x3FA6] =	sst s10  }
0x38: {  	s10 =	sld [smem:$0x3FA7]  }
0x39: {  	_ = 	snop;
	(pc) =	sbr.ind lr, $3  }
0x3a: {  	_ = 	snop  }
0x3b: {  	_ = 	snop  }
0x3c: {  	p2 =	seq.s32 s10, $0x1;
	s10 =	sld [smem:$0x3FA6]  }
0x3d: {  	_ =	shalt  }
0x3e: {  	_ =	shalt  }
0x3f: {  	_ =	shalt  }
0x40: {  	_ =	shalt  }
0x41: {  	_ =	shalt  }
0x42: {  	_ =	shalt  }
0x43: {  	_ =	shalt  }
0x44: {  	_ =	shalt  }
0x45: {  	_ =	shalt  }
0x46: {  	_ =	shalt  }
0x47: {  	_ =	shalt  }
0x48: {  	_ =	shalt  }
0x49: {  	_ =	shalt  }
0x4a: {  	_ =	shalt  }
0x4b: {  	_ =	shalt  }
0x4c: {  	_ =	shalt  }
0x4d: {  	_ =	shalt  }
0x4e: {  	_ =	shalt  }
0x4f: {  	_ =	shalt  }
0x50: {  	_ =	shalt  }
0x51: {  	_ =	shalt  }
0x52: {  	_ =	shalt  }
0x53: {  	_ =	shalt  }
0x54: {  	_ =	shalt  }
0x55: {  	_ =	shalt  }
0x56: {  	_ =	shalt  }
0x57: {  	_ =	shalt  }
0x58: {  	_ =	shalt  }
0x59: {  	_ =	shalt  }
0x5a: {  	_ =	shalt  }
0x5b: {  	_ =	shalt  }
0x5c: {  	_ =	shalt  }
0x5d: {  	_ =	shalt  }
0x5e: {  	_ =	shalt  }
0x5f: {  	_ =	shalt  }
0x60: {  	_ =	shalt  }
0x61: {  	_ =	shalt  }
0x62: {  	_ =	shalt  }
0x63: {  	_ =	shalt  }
0x64: {  	_ =	shalt  }
0x65: {  	_ =	shalt  }
0x66: {  	_ =	shalt  }
0x67: {  	_ =	shalt  }
0x68: {  	_ =	shalt  }
0x69: {  	_ =	shalt  }
0x6a: {  	_ =	shalt  }
0x6b: {  	_ =	shalt  }
0x6c: {  	_ =	shalt  }
0x6d: {  	_ =	shalt  }
0x6e: {  	_ =	shalt  }
0x6f: {  	_ =	shalt  }
0x70: {  	_ =	shalt  }
0x71: {  	_ =	shalt  }
0x72: {  	_ =	shalt  }
0x73: {  	_ =	shalt  }
0x74: {  	_ =	shalt  }
0x75: {  	_ =	shalt  }
0x76: {  	_ =	shalt  }
0x77: {  	_ =	shalt  }
0x78: {  	_ =	shalt  }
0x79: {  	_ =	shalt  }
0x7a: {  	_ =	shalt  }
0x7b: {  	_ =	shalt  }
0x7c: {  	_ =	shalt  }
0x7d: {  	_ =	shalt  }
0x7e: {  	_ =	shalt  }
0x7f: {  	_ =	shalt  }
0x80: {  	_ =	shalt  }
0x81: {  	_ =	shalt  }
0x82: {  	_ =	shalt  }
0x83: {  	_ =	shalt  }
0x84: {  	_ =	shalt  }
0x85: {  	_ =	shalt  }
0x86: {  	_ =	shalt  }
0x87: {  	_ =	shalt  }
.Lfunc_end0:
.L_simem_size_0:
called_computation_lowered:
.L_overlay_start_0:
0x88: {  	s2 =	sld [smem:$0x3FD9]  }
0x89: {  	s3 =	sld [smem:$0x3FFE];
	_ =	sdelay $0x1  }
0x8a: {  	s1 =	srdreg.scid  }
0x8b: {  	s0 =	sand.u32 $0x1, s1  }
0x8c: {  	s16 =	sshll.u32 s0, $0xA;
	s2 =	sadd.s32 s3, s2  }
0x8d: {  	s2 =	sadd.s32 s2, s16  }
0x8e: {  	[smem:$0x3FB2] =	sst s2  }
0x8f: {  	_ = 	snop  }
0x90: {  	(tm) =	ssettm $0x1  }
0x91: {  	s17 =	sld [smem:$0x3FFB];
	_ =	sdelay $0x3  }
0x92: {  	_ =	strace s17  }
0x93: {  	s2 =	sld [smem:$0x3FFC];
	_ =	sdelay $0x3  }
0x94: {  	_ =	strace s2  }
0x95: {  	s2 =	sld [smem:$0x3FFD];
	_ =	sdelay $0x3  }
0x96: {  	_ =	strace s2  }
0x97: {  	_ =	strace $0x8FFFFFFF  }
0x98: {  	s18 =	sld [smem:$0x3FDB];
	_ =	sdelay $0x1  }
0x99: {  	s19 =	simm.s32 $_scs_section_size  }
0x9a: {  	s4 =	simm.s32 $_size__tile_overlayer_lowered;
	s5 =	simm.s32 $_tile_overlayer_lowered  }
0x9b: {  	s22 =	simm.s32 $0x1BFF;
	s21 =	sshll.u32 s5, $0x1;
	s2 =	sadd.s32 s19, s18  }
0x9c: {  	s6 =	simm.s32 $0x0;
	s20 =	sshll.u32 s4, $0x1;
	s4 =	sadd.s32 s21, s2  }
0x9d: {  	[timem:s6], [sflag:s22] =	dma.local [hbm:s4], s20  }
0x9e: {  	_ =	swait.ge [sflag:s22], s20  }
0x9f: {  	s3 =	ssub.s32 $0x0, s20;
	[sflag:s22] =	ssyncset.done $0x0  }
0xa0: {  	[sflag:s22] =	ssyncadd.s32 s3;
	_ =	sdelay $0x1  }
0xa1: {  	s23 =	simm.s32 $0x1B8B  }
0xa2: {  	_ =	swait.ge [sflag:s23], $0x1  }
0xa3: {  	[sflag:s23] =	ssyncset.done $0x0  }
0xa4: {  	s25 =	simm.s32 $0x1B8E;
	s24 =	sld [smem:$0x3FFE];
	[sflag:s23] =	ssyncadd.s32 $0xFFFFFFFF  }
0xa5: {  	s26 =	simm.s32 $execute0_lowered;
	[smem:$0x3FD2] =	sst s25  }
0xa6: {  	s4 =	sshll.u32 s26, $0x1;
	_ =	strace $0x80000046;
	[dreg:$0x1] =	wrdreg $0xFFFFFFFF  }
0xa7: {  	s28 =	simm.s32 $_size_execute0_lowered;
	s2 =	sadd.s32 s2, s4;
	[dreg:$0x0] =	wrdreg $0x0  }
0xa8: {  	s4 =	sshll.u32 s28, $0x1;
	[dreg:$0x2] =	wrdreg s2  }
0xa9: {  	[dreg:$0x3] =	wrdreg s4  }
0xaa: {  	[dreg:$0x4] =	wrdreg $0xC0  }
0xab: {  	_ =	task [dreg:s6], $0x5FFFF  }
0xac: {  	[dreg:$0x1] =	wrdreg $0xFFFFFFFF  }
0xad: {  	[dreg:$0x0] =	wrdreg $0x60  }
0xae: {  	[dreg:$0x2] =	wrdreg s24  }
0xaf: {  	[dreg:$0x3] =	wrdreg $0x15F900  }
0xb0: {  	[dreg:$0x4] =	wrdreg $0x9  }
0xb1: {  	_ =	task.clear_ibuf [dreg:s6], $0x5FFFF;
	_ =	strace $0x90000046  }
0xb2: {  	s29 =	simm.s32 $0x9;
	_ =	strace $0x80000048  }
0xb3: {  	_ =	swait.ge [sflag:s29], $0x1  }
0xb4: {  	[sflag:s29] =	ssyncadd.s32 $0xFFFFFFFF  }
0xb5: {  	_ =	strace $0x90000048  }
0xb6: {  	_ =	sfence  }
0xb7: {  	s30 =	sld [smem:$0x0];
	_ =	sdelay $0x2  }
0xb8: {  	s31 =	sshll.u32 s1, $0xD;
	s1 =	sshrl.u32 s1, $0x2  }
0xb9: {  	s3 =	sand.u32 $0x4000, s31;
	s1 =	sadd.s32 s1, s30  }
0xba: {  	s0 =	sor.u32 s3, s0;
	s1 =	sshll.u32 s1, $0x11  }
0xbb: {  	s0 =	sor.u32 s1, s0  }
0xbc: {  	s0 =	sadd.s32 $0x8F2B, s0  }
0xbd: {  	[sflag:s0] =	ssyncadd.remote.s32 $0x1  }
0xbe: {  	_ =	sfence.sel $0xFFFF  }
0xbf: {  	[dreg:$0x0] =	wrdreg $0xFFFFFFFF;
	(pc) =	sbr.abs _section_cstart, $3  }
0xc0: {  	[dreg:$0x1] =	wrdreg $0xFFFFFFFF  }
0xc1: {  	_ =	task.clear_ibuf [dreg:s6], $0x2FFFF;
	_ =	strace $0x9FFFFFFF  }
0xc2: {  	(tm) =	ssettm $0x7FFFFFFF  }
0xc3: {  	_ =	shalt  }
tec
execute0_lowered:
.L_overlay_start_1:
0x0: {  	(tag) =	ssettag $0x1  }
0x1: {  	s0 =	srdreg.scid;
	s4 =	stileid.u32  }
0x2: {  	s5 =	sand.u32 $0x1, s0;
	s6 =	sshll.u32 s4, $0x1  }
0x3: {  	s6 =	sor.u32 s5, s6;
	s5 =	ssub.s32 $0x2, s5  }
0x4: {  	s9 =	sshrl.u32 s5, $0x1  }
0x5: {  	s5 =	ssub.s32 s5, s9  }
0x6: {  	s3 =	rddreg [dreg:$0x0];
	s5 =	smax.u32 s5, $0x1  }
0x7: {  	s1 =	rddreg [dreg:$0x1];
	s2 =	simm.s32 $0x0;
	s12 =	sadd.s32 $0xFFFFFFFF, s5  }
0x8: {  	s0 =	rddreg [dreg:$0x2];
	s7 =	smul.u32 $0x4E2, s6;
	p2 =	sne.s32 s12, $0x0  }
.Ltmp0:
0x9: {  	p1 =	por $0x0, $0x0;
	[smem:$0x7FF] =	sst s2;
	(pc) =	sbr.rel @!p2 .LBB2_3-.Ltmp0, $4  }
0xa: {  	p0 =	sne.s32 s4, $0x0;
	s4 =	simm.s32 $0x2;
	s8 =	smul.u32 $0x2710, s6  }
0xb: {  	_ =	strace $0x80000047;
	s6 =	sadd.s32 $0x2CA00, s3;
	s9 =	sshrl.u32 @!p0 s1, $0x3  }
0xc: {  	s7 =	sadd.s32 s7, s3;
	s3 =	sadd.s32 s8, s3;
	s8 =	simm.s32 $0x1  }
0xd: {  	s7 =	sadd.s32 $0x2F200, s7;
	s3 =	sadd.s32 $0x42E00, s3;
	s5 =	simm.s32 $0x2710  }
0xe: {  	s10 =	simm.s32 @!p0 $0x1C02;
	s11 =	simm.s32 @!p0 $0x2  }
0xf: {  	[spmem:s9], [sflag:s10] =	dma.local @!p0 [hbm:s6], $0x2710  }
0x10: {  	_ =	swait.ge @!p0 [sflag:s11], $0x2710  }
0x11: {  	[sflag:s11] =	ssyncset.done @!p0 $0x0  }
0x12: {  	[sflag:s11] =	ssyncadd.s32 @!p0 $0xFFFFD8F0  }
0x13: {  	[tilespmem:s2], [sflag:$0x2] =	stream.linear.gather [hbm4b:s7+s2], $0x2710, $0x38;
	[tilespmem:$0x17318] =	vst v63  }
0x14: {  	_ =	swait.ge [sflag:s4], $0x2710  }
0x15: {  	[sflag:s4] =	ssyncset.done $0x0  }
0x16: {  	[sflag:s4] =	ssyncadd.s32 $0xFFFFD8F0  }
0x17: {  	s12 =	sadd.s32 $0xFFFFFFFF, s12;
	[bflag:$0x0] =	sbarrier.arrive $0xFFFF  }
0x18: {  	[tilespmem:s5], [sflag:$0x1] =	stream.indirect.gather [spmem:s1], $0x8, s2, s5, $0xb8;
	[tilespmem:$0x17318] =	vst v63  }
0x19: {  	p2 =	sne.s32 s12, $0x0;
	_ =	swait.ge [sflag:s8], $0x13880  }
.Ltmp1:
0x1a: {  	[sflag:s8] =	ssyncset.done $0x0;
	(pc) =	sbr.rel @!p2 .LBB2_3-.Ltmp1, $4  }
0x1b: {  	[sflag:s8] =	ssyncadd.s32 $0xFFFEC780  }
0x1c: {  	[hbm4b:s3+s2] =	stream.linear.scatter [tilespmem:s5], [sflag:$0x2], $0x13880, $0x38;
	[tilespmem:$0x17318] =	vst v63  }
0x1d: {  	_ =	swait.ge [sflag:s4], $0x13880  }
0x1e: {  	p1 =	por $0x1, $0x1;
	[sflag:s4] =	ssyncset.done $0x0  }
.LBB2_2:
0x1f: {  	[sflag:s4] =	ssyncadd.s32 $0xFFFEC780  }
0x20: {  	[spmem:s9], [sflag:s10] =	dma.local @!p0 [hbm:s6], $0x2710  }
0x21: {  	s12 =	sadd.s32 $0xFFFFFFFF, s12;
	_ =	swait.ge @!p0 [sflag:s11], $0x2710  }
0x22: {  	p2 =	sne.s32 s12, $0x0;
	[sflag:s11] =	ssyncset.done @!p0 $0x0  }
0x23: {  	[sflag:s11] =	ssyncadd.s32 @!p0 $0xFFFFD8F0  }
0x24: {  	[tilespmem:s2], [sflag:$0x2] =	stream.linear.gather [hbm4b:s7+s2], $0x2710, $0x38;
	[tilespmem:$0x17318] =	vst v63  }
0x25: {  	_ =	swait.ge [sflag:s4], $0x2710  }
0x26: {  	[sflag:s4] =	ssyncset.done $0x0  }
0x27: {  	[sflag:s4] =	ssyncadd.s32 $0xFFFFD8F0  }
0x28: {  	[bflag:$0x0] =	sbarrier.arrive $0xFFFF  }
0x29: {  	[tilespmem:s5], [sflag:$0x1] =	stream.indirect.gather [spmem:s1], $0x8, s2, s5, $0xb8;
	[tilespmem:$0x17318] =	vst v63  }
0x2a: {  	_ =	swait.ge [sflag:s8], $0x13880  }
.Ltmp2:
0x2b: {  	[sflag:s8] =	ssyncset.done $0x0;
	(pc) =	sbr.rel @p2 .LBB2_2-.Ltmp2, $4  }
0x2c: {  	[sflag:s8] =	ssyncadd.s32 $0xFFFEC780  }
0x2d: {  	[hbm4b:s3+s2] =	stream.linear.scatter [tilespmem:s5], [sflag:$0x2], $0x13880, $0x38;
	[tilespmem:$0x17318] =	vst v63  }
0x2e: {  	_ =	swait.ge [sflag:s4], $0x13880  }
0x2f: {  	[sflag:s4] =	ssyncset.done $0x0  }
.LBB2_3:
0x30: {  	s10 =	simm.s32 @!p0 $0x1C02;
	s11 =	simm.s32 @!p0 $0x2;
	[sflag:s4] =	ssyncadd.s32 @p1 $0xFFFEC780  }
0x31: {  	[spmem:s9], [sflag:s10] =	dma.local @!p0 [hbm:s6], $0x2710  }
0x32: {  	_ =	swait.ge @!p0 [sflag:s11], $0x2710  }
0x33: {  	[sflag:s11] =	ssyncset.done @!p0 $0x0  }
0x34: {  	[sflag:s11] =	ssyncadd.s32 @!p0 $0xFFFFD8F0  }
0x35: {  	[tilespmem:s2], [sflag:$0x2] =	stream.linear.gather [hbm4b:s7+s2], $0x2710, $0x38;
	[tilespmem:$0x17318] =	vst v63  }
0x36: {  	_ =	swait.ge [sflag:s4], $0x2710  }
0x37: {  	[sflag:s4] =	ssyncset.done $0x0  }
0x38: {  	[sflag:s4] =	ssyncadd.s32 $0xFFFFD8F0  }
0x39: {  	[bflag:$0x0] =	sbarrier.arrive $0xFFFF  }
0x3a: {  	[tilespmem:s5], [sflag:$0x1] =	stream.indirect.gather [spmem:s1], $0x8, s2, s5, $0xb8;
	[tilespmem:$0x17318] =	vst v63  }
0x3b: {  	_ =	swait.ge [sflag:s8], $0x13880  }
0x3c: {  	[sflag:s8] =	ssyncset.done $0x0  }
0x3d: {  	[sflag:s8] =	ssyncadd.s32 $0xFFFEC780  }
0x3e: {  	[hbm4b:s3+s2] =	stream.linear.scatter [tilespmem:s5], [sflag:$0x2], $0x13880, $0x38;
	[tilespmem:$0x17318] =	vst v63  }
0x3f: {  	_ =	swait.ge [sflag:s4], $0x13880  }
0x40: {  	[sflag:s4] =	ssyncset.done $0x0  }
0x41: {  	[sflag:s4] =	ssyncadd.s32 $0xFFFEC780  }
0x42: {  	_ =	sfence.sel $0x180000  }
0x43: {  	[bflag:$0x0] =	sbarrier.arrive $0xFFFF  }
0x44: {  	_ =	strace $0x90000047  }
0x45: {  	s0 =	sadd.s32 @!p0 $0x100000, s0;
	[bflag:$0x2] =	sbarrier.arrive $0xFFFF  }
0x46: {  	[sflag:s0] =	ssyncadd.tile.s32 @!p0 $0x1;
	_ =	shalt  }
.Lfunc_end2:
_tile_overlayer_lowered:
.L_overlay_start_2:
0x47: {  	(tag) =	ssettag $0x2  }
0x48: {  	s0 =	rddreg [dreg:$0x0];
	s2 =	stileid.u32  }
0x49: {  	s1 =	rddreg [dreg:$0x1];
	p0 =	sne.s32 s2, $0x0  }
0x4a: {  	s3 =	rddreg [dreg:$0x2];
	[bflag:$0x3] =	sbarrier.arrive $0xFFFF;
	s2 =	simm.s32 @!p0 $0x1C02  }
0x4b: {  	[timem:s3], [sflag:s2] =	dma.local @!p0 [hbm:s0], s1  }
0x4c: {  	s0 =	simm.s32 @!p0 $0x2  }
0x4d: {  	_ =	swait.ge @!p0 [sflag:s0], s1  }
0x4e: {  	s1 =	ssub.s32 @!p0 $0x0, s1;
	[sflag:s0] =	ssyncset.done @!p0 $0x0  }
0x4f: {  	[sflag:s0] =	ssyncadd.s32 @!p0 s1  }
0x50: {  	[bflag:$0x3] =	sbarrier.arrive $0xFFFF  }
0x51: {  	_ =	shalt  }

// kernel: kernel.19.cloned.1.call-start
scs
__scs_entry_jumppad:
0x0: {  	(pc) =	sbr.rel $0x88, $3  }
0x1: {  	(tag) =	ssettag $0x0;
	lr =	simm.s32 $0x1  }
0x2: {  	[smem:$0x3F8B] =	sst lr;
	_ =	strace $0xD0000000  }
0x3: {  	_ = 	snop  }
0x4: {  	_ = 	snop  }
0x5: {  	_ = 	snop  }
0x6: {  	_ = 	snop  }
0x7: {  	_ = 	snop  }
__scs_overlays_trampoline_lowered:
0x8: {  	[smem:$0x3F9A] =	sst s0  }
0x9: {  	[smem:$0x3F9B] =	sst s1  }
0xa: {  	[smem:$0x3F9C] =	sst s2  }
0xb: {  	[smem:$0x3F9D] =	sst s3  }
0xc: {  	[smem:$0x3F9E] =	sst s4  }
0xd: {  	[smem:$0x3F9F] =	sst s5  }
0xe: {  	[smem:$0x3FA0] =	sst s6  }
0xf: {  	[smem:$0x3FA1] =	sst s7  }
0x10: {  	[smem:$0x3FA2] =	sst s8  }
0x11: {  	[smem:$0x3FA3] =	sst s9;
	s0 =	simm.s32 @!p0 $0x0  }
0x12: {  	s1 =	sld [smem:$0x3F89];
	s0 =	simm.s32 @p0 $0x1  }
0x13: {  	[smem:$0x3FA4] =	sst s0;
	s0 =	simm.s32 @!p1 $0x0  }
0x14: {  	s2 =	sld [smem:$0x3F88];
	s0 =	simm.s32 @p1 $0x1  }
0x15: {  	[smem:$0x3FA5] =	sst s0;
	s0 =	simm.s32 @!p2 $0x0  }
0x16: {  	s3 =	sld [smem:$0x3FDB];
	s0 =	simm.s32 @p2 $0x1  }
0x17: {  	s4 =	simm.s32 $0x1BF5;
	[smem:$0x3FA7] =	sst s0  }
0x18: {  	s0 =	sld [smem:$0x3F8A];
	_ =	swait.ge [sflag:s4], $0x0  }
0x19: {  	s7 =	sld [smem:$0x3F8B]  }
0x1a: {  	s8 =	sadd.s32 $0xFFFFE003, lr  }
0x1b: {  	s9 =	sadd.s32 $0xFFFFFEF7, lr;
	s5 =	simm.s32 $0xFFFFFFFF;
	p2 =	slt.u32 s8, $0xFFFFF086  }
0x1c: {  	p1 =	slt.u32 s9, $0xF7A;
	s5 =	simm.s32 @!p2 $0x0  }
0x1d: {  	s5 =	simm.s32 @p1 $0x1;
	p0 =	seq.s32 s7, s2  }
0x1e: {  	s7 =	smul.u32 @!p0 $0xF7A, s2;
	p2 =	seq.s32 @!p0 s5, $0x0  }
0x1f: {  	s9 =	smul.u32 $0xF7A, s1;
	s8 =	simm.s32 @!p0 $0x1BF5;
	p2 =	por !p2, p0  }
0x20: {  	[sflag:s8] =	ssyncset.s32 @!p0 $0xFFFFF086;
	s6 =	sadd.s32 @!p0 s3, s7;
	s7 =	simm.s32 @!p0 $0x108  }
0x21: {  	s3 =	sadd.s32 s3, s9;
	s6 =	sadd.s32 @!p0 $0x88, s6;
	s7 =	simm.s32 @p2 $0x1082  }
0x22: {  	[simem:s7], [sflag:s8] =	dma.local @!p0 [hbm:s6], $0xF7A  }
0x23: {  	s9 =	sor.u32 $0xD0000000, s2;
	s6 =	simm.s32 $0x108;
	_ =	swait.ge @!p0 [sflag:s8], $0x0  }
0x24: {  	s3 =	sadd.s32 $0x88, s3;
	s6 =	simm.s32 @!p1 $0x1082;
	[sflag:s4] =	ssyncset.s32 $0xFFFFF086  }
0x25: {  	[simem:s6], [sflag:s4] =	dma.local [hbm:s3], $0xF7A  }
0x26: {  	[smem:$0x3F8B] =	sst s1;
	(tag) =	ssettag s2;
	_ =	strace s9  }
0x27: {  	s1 =	sld [smem:$0x3F9B]  }
0x28: {  	s2 =	sld [smem:$0x3F9C]  }
0x29: {  	s4 =	sld [smem:$0x3F9E]  }
0x2a: {  	p0 =	seq.s32 s5, $0x0;
	s5 =	sld [smem:$0x3F9F]  }
0x2b: {  	s6 =	sld [smem:$0x3FA0]  }
0x2c: {  	s7 =	sld [smem:$0x3FA1]  }
0x2d: {  	s3 =	simm.s32 $0x108;
	s8 =	sld [smem:$0x3FA2]  }
0x2e: {  	s3 =	simm.s32 @!p0 $0x1082;
	s9 =	sld [smem:$0x3FA3]  }
0x2f: {  	lr =	sadd.s32 s0, s3;
	s0 =	sld [smem:$0x3F9A]  }
0x30: {  	s3 =	sld [smem:$0x3F9D]  }
0x31: {  	[smem:$0x3FA6] =	sst s10  }
0x32: {  	s10 =	sld [smem:$0x3FA4];
	_ =	sdelay $0x3  }
0x33: {  	p0 =	seq.s32 s10, $0x1;
	s10 =	sld [smem:$0x3FA6];
	_ =	sdelay $0x3  }
0x34: {  	[smem:$0x3FA6] =	sst s10  }
0x35: {  	s10 =	sld [smem:$0x3FA5];
	_ =	sdelay $0x3  }
0x36: {  	p1 =	seq.s32 s10, $0x1;
	s10 =	sld [smem:$0x3FA6];
	_ =	sdelay $0x3  }
0x37: {  	[smem:$0x3FA6] =	sst s10  }
0x38: {  	s10 =	sld [smem:$0x3FA7]  }
0x39: {  	_ = 	snop;
	(pc) =	sbr.ind lr, $3  }
0x3a: {  	_ = 	snop  }
0x3b: {  	_ = 	snop  }
0x3c: {  	p2 =	seq.s32 s10, $0x1;
	s10 =	sld [smem:$0x3FA6]  }
0x3d: {  	_ =	shalt  }
0x3e: {  	_ =	shalt  }
0x3f: {  	_ =	shalt  }
0x40: {  	_ =	shalt  }
0x41: {  	_ =	shalt  }
0x42: {  	_ =	shalt  }
0x43: {  	_ =	shalt  }
0x44: {  	_ =	shalt  }
0x45: {  	_ =	shalt  }
0x46: {  	_ =	shalt  }
0x47: {  	_ =	shalt  }
0x48: {  	_ =	shalt  }
0x49: {  	_ =	shalt  }
0x4a: {  	_ =	shalt  }
0x4b: {  	_ =	shalt  }
0x4c: {  	_ =	shalt  }
0x4d: {  	_ =	shalt  }
0x4e: {  	_ =	shalt  }
0x4f: {  	_ =	shalt  }
0x50: {  	_ =	shalt  }
0x51: {  	_ =	shalt  }
0x52: {  	_ =	shalt  }
0x53: {  	_ =	shalt  }
0x54: {  	_ =	shalt  }
0x55: {  	_ =	shalt  }
0x56: {  	_ =	shalt  }
0x57: {  	_ =	shalt  }
0x58: {  	_ =	shalt  }
0x59: {  	_ =	shalt  }
0x5a: {  	_ =	shalt  }
0x5b: {  	_ =	shalt  }
0x5c: {  	_ =	shalt  }
0x5d: {  	_ =	shalt  }
0x5e: {  	_ =	shalt  }
0x5f: {  	_ =	shalt  }
0x60: {  	_ =	shalt  }
0x61: {  	_ =	shalt  }
0x62: {  	_ =	shalt  }
0x63: {  	_ =	shalt  }
0x64: {  	_ =	shalt  }
0x65: {  	_ =	shalt  }
0x66: {  	_ =	shalt  }
0x67: {  	_ =	shalt  }
0x68: {  	_ =	shalt  }
0x69: {  	_ =	shalt  }
0x6a: {  	_ =	shalt  }
0x6b: {  	_ =	shalt  }
0x6c: {  	_ =	shalt  }
0x6d: {  	_ =	shalt  }
0x6e: {  	_ =	shalt  }
0x6f: {  	_ =	shalt  }
0x70: {  	_ =	shalt  }
0x71: {  	_ =	shalt  }
0x72: {  	_ =	shalt  }
0x73: {  	_ =	shalt  }
0x74: {  	_ =	shalt  }
0x75: {  	_ =	shalt  }
0x76: {  	_ =	shalt  }
0x77: {  	_ =	shalt  }
0x78: {  	_ =	shalt  }
0x79: {  	_ =	shalt  }
0x7a: {  	_ =	shalt  }
0x7b: {  	_ =	shalt  }
0x7c: {  	_ =	shalt  }
0x7d: {  	_ =	shalt  }
0x7e: {  	_ =	shalt  }
0x7f: {  	_ =	shalt  }
0x80: {  	_ =	shalt  }
0x81: {  	_ =	shalt  }
0x82: {  	_ =	shalt  }
0x83: {  	_ =	shalt  }
0x84: {  	_ =	shalt  }
0x85: {  	_ =	shalt  }
0x86: {  	_ =	shalt  }
0x87: {  	_ =	shalt  }
.Lfunc_end0:
.L_simem_size_0:
called_computation.1_lowered:
.L_overlay_start_0:
0x88: {  	s2 =	sld [smem:$0x3FD9]  }
0x89: {  	s3 =	sld [smem:$0x3FFE];
	_ =	sdelay $0x1  }
0x8a: {  	s1 =	srdreg.scid  }
0x8b: {  	s0 =	sand.u32 $0x1, s1  }
0x8c: {  	s16 =	sshll.u32 s0, $0xA;
	s2 =	sadd.s32 s3, s2  }
0x8d: {  	s2 =	sadd.s32 s2, s16  }
0x8e: {  	[smem:$0x3FB2] =	sst s2  }
0x8f: {  	_ = 	snop  }
0x90: {  	(tm) =	ssettm $0x1  }
0x91: {  	s17 =	sld [smem:$0x3FFB];
	_ =	sdelay $0x3  }
0x92: {  	_ =	strace s17  }
0x93: {  	s2 =	sld [smem:$0x3FFC];
	_ =	sdelay $0x3  }
0x94: {  	_ =	strace s2  }
0x95: {  	s2 =	sld [smem:$0x3FFD];
	_ =	sdelay $0x3  }
0x96: {  	_ =	strace s2  }
0x97: {  	_ =	strace $0x8FFFFFFF  }
0x98: {  	s18 =	sld [smem:$0x3FDB];
	_ =	sdelay $0x1  }
0x99: {  	s19 =	simm.s32 $_scs_section_size  }
0x9a: {  	s4 =	simm.s32 $_size__tile_overlayer_lowered;
	s5 =	simm.s32 $_tile_overlayer_lowered  }
0x9b: {  	s22 =	simm.s32 $0x1BFF;
	s21 =	sshll.u32 s5, $0x1;
	s2 =	sadd.s32 s19, s18  }
0x9c: {  	s6 =	simm.s32 $0x0;
	s20 =	sshll.u32 s4, $0x1;
	s4 =	sadd.s32 s21, s2  }
0x9d: {  	[timem:s6], [sflag:s22] =	dma.local [hbm:s4], s20  }
0x9e: {  	_ =	swait.ge [sflag:s22], s20  }
0x9f: {  	s3 =	ssub.s32 $0x0, s20;
	[sflag:s22] =	ssyncset.done $0x0  }
0xa0: {  	[sflag:s22] =	ssyncadd.s32 s3;
	_ =	sdelay $0x1  }
0xa1: {  	s23 =	simm.s32 $0x1B8B  }
0xa2: {  	_ =	swait.ge [sflag:s23], $0x1  }
0xa3: {  	[sflag:s23] =	ssyncset.done $0x0  }
0xa4: {  	s25 =	simm.s32 $0x1B8E;
	s24 =	sld [smem:$0x3FFE];
	[sflag:s23] =	ssyncadd.s32 $0xFFFFFFFF  }
0xa5: {  	s26 =	simm.s32 $execute0_lowered;
	[smem:$0x3FD2] =	sst s25  }
0xa6: {  	s4 =	sshll.u32 s26, $0x1;
	_ =	strace $0x80000049;
	[dreg:$0x1] =	wrdreg $0xFFFFFFFF  }
0xa7: {  	s28 =	simm.s32 $_size_execute0_lowered;
	s2 =	sadd.s32 s2, s4;
	[dreg:$0x0] =	wrdreg $0x0  }
0xa8: {  	s4 =	sshll.u32 s28, $0x1;
	[dreg:$0x2] =	wrdreg s2  }
0xa9: {  	[dreg:$0x3] =	wrdreg s4  }
0xaa: {  	[dreg:$0x4] =	wrdreg $0xC0  }
0xab: {  	_ =	task [dreg:s6], $0x5FFFF  }
0xac: {  	[dreg:$0x1] =	wrdreg $0xFFFFFFFF  }
0xad: {  	[dreg:$0x0] =	wrdreg $0x60  }
0xae: {  	[dreg:$0x2] =	wrdreg s24  }
0xaf: {  	[dreg:$0x3] =	wrdreg $0x15F900  }
0xb0: {  	[dreg:$0x4] =	wrdreg $0x9  }
0xb1: {  	_ =	task.clear_ibuf [dreg:s6], $0x5FFFF;
	_ =	strace $0x90000049  }
0xb2: {  	s29 =	simm.s32 $0x9;
	_ =	strace $0x8000004B  }
0xb3: {  	_ =	swait.ge [sflag:s29], $0x1  }
0xb4: {  	[sflag:s29] =	ssyncadd.s32 $0xFFFFFFFF  }
0xb5: {  	_ =	strace $0x9000004B  }
0xb6: {  	_ =	sfence  }
0xb7: {  	s30 =	sld [smem:$0x0];
	_ =	sdelay $0x2  }
0xb8: {  	s31 =	sshll.u32 s1, $0xD;
	s1 =	sshrl.u32 s1, $0x2  }
0xb9: {  	s3 =	sand.u32 $0x4000, s31;
	s1 =	sadd.s32 s1, s30  }
0xba: {  	s0 =	sor.u32 s3, s0;
	s1 =	sshll.u32 s1, $0x11  }
0xbb: {  	s0 =	sor.u32 s1, s0  }
0xbc: {  	s0 =	sadd.s32 $0x8F2B, s0  }
0xbd: {  	[sflag:s0] =	ssyncadd.remote.s32 $0x1  }
0xbe: {  	_ =	sfence.sel $0xFFFF  }
0xbf: {  	[dreg:$0x0] =	wrdreg $0xFFFFFFFF;
	(pc) =	sbr.abs _section_cstart, $3  }
0xc0: {  	[dreg:$0x1] =	wrdreg $0xFFFFFFFF  }
0xc1: {  	_ =	task.clear_ibuf [dreg:s6], $0x2FFFF;
	_ =	strace $0x9FFFFFFF  }
0xc2: {  	(tm) =	ssettm $0x7FFFFFFF  }
0xc3: {  	_ =	shalt  }
tec
execute0_lowered:
.L_overlay_start_1:
0x0: {  	(tag) =	ssettag $0x1  }
0x1: {  	s0 =	srdreg.scid  }
0x2: {  	s5 =	sand.u32 $0x1, s0  }
0x3: {  	s8 =	ssub.s32 $0x2, s5  }
0x4: {  	s3 =	rddreg [dreg:$0x0];
	s4 =	stileid.u32;
	s30 =	sshrl.u32 s8, $0x1  }
0x5: {  	s1 =	rddreg [dreg:$0x1];
	s6 =	sshll.u32 s4, $0x1;
	s8 =	ssub.s32 s8, s30  }
0x6: {  	s2 =	simm.s32 $0x0;
	s6 =	sor.u32 s5, s6;
	s31 =	smax.u32 s8, $0x1  }
0x7: {  	p1 =	por $0x0, $0x0;
	s7 =	smul.u32 $0x2710, s6;
	s12 =	sadd.s32 $0xFFFFFFFF, s31  }
0x8: {  	s0 =	rddreg [dreg:$0x2];
	s6 =	smul.u32 $0x4E2, s6;
	p2 =	sne.s32 s12, $0x0  }
.Ltmp0:
0x9: {  	[smem:$0x7FF] =	sst s2;
	s9 =	sadd.s32 $0x2CA00, s3;
	(pc) =	sbr.rel @!p2 .LBB2_3-.Ltmp0, $4  }
0xa: {  	p0 =	sne.s32 s4, $0x0;
	_ =	strace $0x8000004A;
	s5 =	smul.u32 $0x2710, s5  }
0xb: {  	s4 =	sshrl.u32 @!p0 s1, $0x3;
	s10 =	sadd.s32 s7, s3;
	s6 =	sadd.s32 s6, s3  }
0xc: {  	s3 =	sadd.s32 s5, s3;
	s5 =	simm.s32 $0x1;
	s8 =	simm.s32 $0x2710  }
0xd: {  	s7 =	sadd.s32 $0x39000, s6;
	s6 =	sadd.s32 $0x42E00, s10;
	s3 =	sadd.s32 $0x91000, s3  }
0xe: {  	s11 =	simm.s32 @!p0 $0x1C01;
	s10 =	simm.s32 @!p0 $0x1  }
0xf: {  	[spmem:s4], [sflag:s11] =	dma.local @!p0 [hbm:s9], $0x2710  }
0x10: {  	_ =	swait.ge @!p0 [sflag:s10], $0x2710  }
0x11: {  	[sflag:s10] =	ssyncset.done @!p0 $0x0  }
0x12: {  	[sflag:s10] =	ssyncadd.s32 @!p0 $0xFFFFD8F0  }
0x13: {  	[bflag:$0x0] =	sbarrier.arrive $0xFFFF  }
0x14: {  	[tilespmem:s2], [sflag:$0x1] =	stream.linear.gather [hbm4b:s7+s2], $0x2710, $0x38;
	[tilespmem:$0x17318] =	vst v63  }
0x15: {  	_ =	swait.ge [sflag:s5], $0x2710  }
0x16: {  	[sflag:s5] =	ssyncset.done $0x0  }
0x17: {  	[sflag:s5] =	ssyncadd.s32 $0xFFFFD8F0  }
0x18: {  	[tilespmem:s8], [sflag:$0x1] =	stream.linear.gather [hbm4b:s6+s2], $0x13880, $0x38;
	[tilespmem:$0x17318] =	vst v63  }
0x19: {  	_ =	swait.ge [sflag:s5], $0x13880  }
0x1a: {  	[sflag:s5] =	ssyncset.done $0x0  }
0x1b: {  	[sflag:s5] =	ssyncadd.s32 $0xFFFEC780  }
0x1c: {  	[spmem:s1] =	stream.indirect.scatter.add.f32 [tilespmem:s8], [sflag:$0x1], $0x8, s2, s8, $0xb8;
	[tilespmem:$0x17318] =	vst v63  }
0x1d: {  	s12 =	sadd.s32 $0xFFFFFFFF, s12;
	_ =	swait.ge [sflag:s5], $0x13880  }
0x1e: {  	p2 =	sne.s32 s12, $0x0;
	[sflag:s5] =	ssyncset.done $0x0  }
.Ltmp1:
0x1f: {  	[sflag:s5] =	ssyncadd.s32 $0xFFFEC780;
	(pc) =	sbr.rel @!p2 .LBB2_3-.Ltmp1, $4  }
0x20: {  	[bflag:$0x0] =	sbarrier.arrive $0xFFFF  }
0x21: {  	[hbm:s3], [sflag:s11] =	dma.local @!p0 [spmem:s4], $0x2710  }
0x22: {  	_ =	swait.ge @!p0 [sflag:s10], $0x2710  }
0x23: {  	p1 =	por $0x1, $0x1;
	[sflag:s10] =	ssyncset.done @!p0 $0x0  }
.LBB2_2:
0x24: {  	[sflag:s10] =	ssyncadd.s32 @!p0 $0xFFFFD8F0  }
0x25: {  	[spmem:s4], [sflag:s11] =	dma.local @!p0 [hbm:s9], $0x2710  }
0x26: {  	s12 =	sadd.s32 $0xFFFFFFFF, s12;
	_ =	swait.ge @!p0 [sflag:s10], $0x2710  }
0x27: {  	p2 =	sne.s32 s12, $0x0;
	[sflag:s10] =	ssyncset.done @!p0 $0x0  }
0x28: {  	[sflag:s10] =	ssyncadd.s32 @!p0 $0xFFFFD8F0  }
0x29: {  	[bflag:$0x0] =	sbarrier.arrive $0xFFFF  }
0x2a: {  	[tilespmem:s2], [sflag:$0x1] =	stream.linear.gather [hbm4b:s7+s2], $0x2710, $0x38;
	[tilespmem:$0x17318] =	vst v63  }
0x2b: {  	_ =	swait.ge [sflag:s5], $0x2710  }
0x2c: {  	[sflag:s5] =	ssyncset.done $0x0  }
0x2d: {  	[sflag:s5] =	ssyncadd.s32 $0xFFFFD8F0  }
0x2e: {  	[tilespmem:s8], [sflag:$0x1] =	stream.linear.gather [hbm4b:s6+s2], $0x13880, $0x38;
	[tilespmem:$0x17318] =	vst v63  }
0x2f: {  	_ =	swait.ge [sflag:s5], $0x13880  }
0x30: {  	[sflag:s5] =	ssyncset.done $0x0  }
0x31: {  	[sflag:s5] =	ssyncadd.s32 $0xFFFEC780  }
0x32: {  	[spmem:s1] =	stream.indirect.scatter.add.f32 [tilespmem:s8], [sflag:$0x1], $0x8, s2, s8, $0xb8;
	[tilespmem:$0x17318] =	vst v63  }
0x33: {  	_ =	swait.ge [sflag:s5], $0x13880  }
0x34: {  	[sflag:s5] =	ssyncset.done $0x0  }
.Ltmp2:
0x35: {  	[sflag:s5] =	ssyncadd.s32 $0xFFFEC780;
	(pc) =	sbr.rel @p2 .LBB2_2-.Ltmp2, $4  }
0x36: {  	[bflag:$0x0] =	sbarrier.arrive $0xFFFF  }
0x37: {  	[hbm:s3], [sflag:s11] =	dma.local @!p0 [spmem:s4], $0x2710  }
0x38: {  	_ =	swait.ge @!p0 [sflag:s10], $0x2710  }
0x39: {  	[sflag:s10] =	ssyncset.done @!p0 $0x0  }
.LBB2_3:
0x3a: {  	p1 =	por p0, !p1  }
0x3b: {  	s11 =	simm.s32 @!p0 $0x1C01;
	s12 =	simm.s32 @!p0 $0x1;
	[sflag:s10] =	ssyncadd.s32 @!p1 $0xFFFFD8F0  }
0x3c: {  	[spmem:s4], [sflag:s11] =	dma.local @!p0 [hbm:s9], $0x2710  }
0x3d: {  	_ =	swait.ge @!p0 [sflag:s12], $0x2710  }
0x3e: {  	[sflag:s12] =	ssyncset.done @!p0 $0x0  }
0x3f: {  	[sflag:s12] =	ssyncadd.s32 @!p0 $0xFFFFD8F0  }
0x40: {  	[bflag:$0x0] =	sbarrier.arrive $0xFFFF  }
0x41: {  	[tilespmem:s2], [sflag:$0x1] =	stream.linear.gather [hbm4b:s7+s2], $0x2710, $0x38;
	[tilespmem:$0x17318] =	vst v63  }
0x42: {  	_ =	swait.ge [sflag:s5], $0x2710  }
0x43: {  	[sflag:s5] =	ssyncset.done $0x0  }
0x44: {  	[sflag:s5] =	ssyncadd.s32 $0xFFFFD8F0  }
0x45: {  	[tilespmem:s8], [sflag:$0x1] =	stream.linear.gather [hbm4b:s6+s2], $0x13880, $0x38;
	[tilespmem:$0x17318] =	vst v63  }
0x46: {  	_ =	swait.ge [sflag:s5], $0x13880  }
0x47: {  	[sflag:s5] =	ssyncset.done $0x0  }
0x48: {  	[sflag:s5] =	ssyncadd.s32 $0xFFFEC780  }
0x49: {  	[spmem:s1] =	stream.indirect.scatter.add.f32 [tilespmem:s8], [sflag:$0x1], $0x8, s2, s8, $0xb8;
	[tilespmem:$0x17318] =	vst v63  }
0x4a: {  	_ =	swait.ge [sflag:s5], $0x13880  }
0x4b: {  	[sflag:s5] =	ssyncset.done $0x0  }
0x4c: {  	[sflag:s5] =	ssyncadd.s32 $0xFFFEC780  }
0x4d: {  	[bflag:$0x0] =	sbarrier.arrive $0xFFFF  }
0x4e: {  	[hbm:s3], [sflag:s11] =	dma.local @!p0 [spmem:s4], $0x2710  }
0x4f: {  	_ =	swait.ge @!p0 [sflag:s12], $0x2710  }
0x50: {  	[sflag:s12] =	ssyncset.done @!p0 $0x0  }
0x51: {  	[sflag:s12] =	ssyncadd.s32 @!p0 $0xFFFFD8F0  }
0x52: {  	_ =	sfence.sel $0x180000  }
0x53: {  	[bflag:$0x0] =	sbarrier.arrive $0xFFFF  }
0x54: {  	_ =	strace $0x9000004A  }
0x55: {  	s0 =	sadd.s32 @!p0 $0x100000, s0;
	[bflag:$0x2] =	sbarrier.arrive $0xFFFF  }
0x56: {  	[sflag:s0] =	ssyncadd.tile.s32 @!p0 $0x1;
	_ =	shalt  }
.Lfunc_end2:
_tile_overlayer_lowered:
.L_overlay_start_2:
0x57: {  	(tag) =	ssettag $0x2  }
0x58: {  	s0 =	rddreg [dreg:$0x0];
	s2 =	stileid.u32  }
0x59: {  	s1 =	rddreg [dreg:$0x1];
	p0 =	sne.s32 s2, $0x0  }
0x5a: {  	s3 =	rddreg [dreg:$0x2];
	[bflag:$0x3] =	sbarrier.arrive $0xFFFF;
	s2 =	simm.s32 @!p0 $0x1C01  }
0x5b: {  	[timem:s3], [sflag:s2] =	dma.local @!p0 [hbm:s0], s1  }
0x5c: {  	s0 =	simm.s32 @!p0 $0x1  }
0x5d: {  	_ =	swait.ge @!p0 [sflag:s0], s1  }
0x5e: {  	s1 =	ssub.s32 @!p0 $0x0, s1;
	[sflag:s0] =	ssyncset.done @!p0 $0x0  }
0x5f: {  	[sflag:s0] =	ssyncadd.s32 @!p0 s1  }
0x60: {  	[bflag:$0x3] =	sbarrier.arrive $0xFFFF  }
0x61: {  	_ =	shalt  }

// kernel: kernel.22.cloned.1.call-start
scs
__scs_entry_jumppad:
0x0: {  	(pc) =	sbr.rel $0x88, $3  }
0x1: {  	(tag) =	ssettag $0x0;
	lr =	simm.s32 $0x1  }
0x2: {  	[smem:$0x3F8B] =	sst lr;
	_ =	strace $0xD0000000  }
0x3: {  	_ = 	snop  }
0x4: {  	_ = 	snop  }
0x5: {  	_ = 	snop  }
0x6: {  	_ = 	snop  }
0x7: {  	_ = 	snop  }
__scs_overlays_trampoline_lowered:
0x8: {  	[smem:$0x3F9A] =	sst s0  }
0x9: {  	[smem:$0x3F9B] =	sst s1  }
0xa: {  	[smem:$0x3F9C] =	sst s2  }
0xb: {  	[smem:$0x3F9D] =	sst s3  }
0xc: {  	[smem:$0x3F9E] =	sst s4  }
0xd: {  	[smem:$0x3F9F] =	sst s5  }
0xe: {  	[smem:$0x3FA0] =	sst s6  }
0xf: {  	[smem:$0x3FA1] =	sst s7  }
0x10: {  	[smem:$0x3FA2] =	sst s8  }
0x11: {  	[smem:$0x3FA3] =	sst s9;
	s0 =	simm.s32 @!p0 $0x0  }
0x12: {  	s1 =	sld [smem:$0x3F89];
	s0 =	simm.s32 @p0 $0x1  }
0x13: {  	[smem:$0x3FA4] =	sst s0;
	s0 =	simm.s32 @!p1 $0x0  }
0x14: {  	s2 =	sld [smem:$0x3F88];
	s0 =	simm.s32 @p1 $0x1  }
0x15: {  	[smem:$0x3FA5] =	sst s0;
	s0 =	simm.s32 @!p2 $0x0  }
0x16: {  	s3 =	sld [smem:$0x3FDB];
	s0 =	simm.s32 @p2 $0x1  }
0x17: {  	s4 =	simm.s32 $0x1BF5;
	[smem:$0x3FA7] =	sst s0  }
0x18: {  	s0 =	sld [smem:$0x3F8A];
	_ =	swait.ge [sflag:s4], $0x0  }
0x19: {  	s7 =	sld [smem:$0x3F8B]  }
0x1a: {  	s8 =	sadd.s32 $0xFFFFE003, lr  }
0x1b: {  	s9 =	sadd.s32 $0xFFFFFEF7, lr;
	s5 =	simm.s32 $0xFFFFFFFF;
	p2 =	slt.u32 s8, $0xFFFFF086  }
0x1c: {  	p1 =	slt.u32 s9, $0xF7A;
	s5 =	simm.s32 @!p2 $0x0  }
0x1d: {  	s5 =	simm.s32 @p1 $0x1;
	p0 =	seq.s32 s7, s2  }
0x1e: {  	s7 =	smul.u32 @!p0 $0xF7A, s2;
	p2 =	seq.s32 @!p0 s5, $0x0  }
0x1f: {  	s9 =	smul.u32 $0xF7A, s1;
	s8 =	simm.s32 @!p0 $0x1BF5;
	p2 =	por !p2, p0  }
0x20: {  	[sflag:s8] =	ssyncset.s32 @!p0 $0xFFFFF086;
	s6 =	sadd.s32 @!p0 s3, s7;
	s7 =	simm.s32 @!p0 $0x108  }
0x21: {  	s3 =	sadd.s32 s3, s9;
	s6 =	sadd.s32 @!p0 $0x88, s6;
	s7 =	simm.s32 @p2 $0x1082  }
0x22: {  	[simem:s7], [sflag:s8] =	dma.local @!p0 [hbm:s6], $0xF7A  }
0x23: {  	s9 =	sor.u32 $0xD0000000, s2;
	s6 =	simm.s32 $0x108;
	_ =	swait.ge @!p0 [sflag:s8], $0x0  }
0x24: {  	s3 =	sadd.s32 $0x88, s3;
	s6 =	simm.s32 @!p1 $0x1082;
	[sflag:s4] =	ssyncset.s32 $0xFFFFF086  }
0x25: {  	[simem:s6], [sflag:s4] =	dma.local [hbm:s3], $0xF7A  }
0x26: {  	[smem:$0x3F8B] =	sst s1;
	(tag) =	ssettag s2;
	_ =	strace s9  }
0x27: {  	s1 =	sld [smem:$0x3F9B]  }
0x28: {  	s2 =	sld [smem:$0x3F9C]  }
0x29: {  	s4 =	sld [smem:$0x3F9E]  }
0x2a: {  	p0 =	seq.s32 s5, $0x0;
	s5 =	sld [smem:$0x3F9F]  }
0x2b: {  	s6 =	sld [smem:$0x3FA0]  }
0x2c: {  	s7 =	sld [smem:$0x3FA1]  }
0x2d: {  	s3 =	simm.s32 $0x108;
	s8 =	sld [smem:$0x3FA2]  }
0x2e: {  	s3 =	simm.s32 @!p0 $0x1082;
	s9 =	sld [smem:$0x3FA3]  }
0x2f: {  	lr =	sadd.s32 s0, s3;
	s0 =	sld [smem:$0x3F9A]  }
0x30: {  	s3 =	sld [smem:$0x3F9D]  }
0x31: {  	[smem:$0x3FA6] =	sst s10  }
0x32: {  	s10 =	sld [smem:$0x3FA4];
	_ =	sdelay $0x3  }
0x33: {  	p0 =	seq.s32 s10, $0x1;
	s10 =	sld [smem:$0x3FA6];
	_ =	sdelay $0x3  }
0x34: {  	[smem:$0x3FA6] =	sst s10  }
0x35: {  	s10 =	sld [smem:$0x3FA5];
	_ =	sdelay $0x3  }
0x36: {  	p1 =	seq.s32 s10, $0x1;
	s10 =	sld [smem:$0x3FA6];
	_ =	sdelay $0x3  }
0x37: {  	[smem:$0x3FA6] =	sst s10  }
0x38: {  	s10 =	sld [smem:$0x3FA7]  }
0x39: {  	_ = 	snop;
	(pc) =	sbr.ind lr, $3  }
0x3a: {  	_ = 	snop  }
0x3b: {  	_ = 	snop  }
0x3c: {  	p2 =	seq.s32 s10, $0x1;
	s10 =	sld [smem:$0x3FA6]  }
0x3d: {  	_ =	shalt  }
0x3e: {  	_ =	shalt  }
0x3f: {  	_ =	shalt  }
0x40: {  	_ =	shalt  }
0x41: {  	_ =	shalt  }
0x42: {  	_ =	shalt  }
0x43: {  	_ =	shalt  }
0x44: {  	_ =	shalt  }
0x45: {  	_ =	shalt  }
0x46: {  	_ =	shalt  }
0x47: {  	_ =	shalt  }
0x48: {  	_ =	shalt  }
0x49: {  	_ =	shalt  }
0x4a: {  	_ =	shalt  }
0x4b: {  	_ =	shalt  }
0x4c: {  	_ =	shalt  }
0x4d: {  	_ =	shalt  }
0x4e: {  	_ =	shalt  }
0x4f: {  	_ =	shalt  }
0x50: {  	_ =	shalt  }
0x51: {  	_ =	shalt  }
0x52: {  	_ =	shalt  }
0x53: {  	_ =	shalt  }
0x54: {  	_ =	shalt  }
0x55: {  	_ =	shalt  }
0x56: {  	_ =	shalt  }
0x57: {  	_ =	shalt  }
0x58: {  	_ =	shalt  }
0x59: {  	_ =	shalt  }
0x5a: {  	_ =	shalt  }
0x5b: {  	_ =	shalt  }
0x5c: {  	_ =	shalt  }
0x5d: {  	_ =	shalt  }
0x5e: {  	_ =	shalt  }
0x5f: {  	_ =	shalt  }
0x60: {  	_ =	shalt  }
0x61: {  	_ =	shalt  }
0x62: {  	_ =	shalt  }
0x63: {  	_ =	shalt  }
0x64: {  	_ =	shalt  }
0x65: {  	_ =	shalt  }
0x66: {  	_ =	shalt  }
0x67: {  	_ =	shalt  }
0x68: {  	_ =	shalt  }
0x69: {  	_ =	shalt  }
0x6a: {  	_ =	shalt  }
0x6b: {  	_ =	shalt  }
0x6c: {  	_ =	shalt  }
0x6d: {  	_ =	shalt  }
0x6e: {  	_ =	shalt  }
0x6f: {  	_ =	shalt  }
0x70: {  	_ =	shalt  }
0x71: {  	_ =	shalt  }
0x72: {  	_ =	shalt  }
0x73: {  	_ =	shalt  }
0x74: {  	_ =	shalt  }
0x75: {  	_ =	shalt  }
0x76: {  	_ =	shalt  }
0x77: {  	_ =	shalt  }
0x78: {  	_ =	shalt  }
0x79: {  	_ =	shalt  }
0x7a: {  	_ =	shalt  }
0x7b: {  	_ =	shalt  }
0x7c: {  	_ =	shalt  }
0x7d: {  	_ =	shalt  }
0x7e: {  	_ =	shalt  }
0x7f: {  	_ =	shalt  }
0x80: {  	_ =	shalt  }
0x81: {  	_ =	shalt  }
0x82: {  	_ =	shalt  }
0x83: {  	_ =	shalt  }
0x84: {  	_ =	shalt  }
0x85: {  	_ =	shalt  }
0x86: {  	_ =	shalt  }
0x87: {  	_ =	shalt  }
.Lfunc_end0:
.L_simem_size_0:
called_computation.2_lowered:
.L_overlay_start_0:
0x88: {  	s2 =	sld [smem:$0x3FD9]  }
0x89: {  	s3 =	sld [smem:$0x3FFE];
	_ =	sdelay $0x1  }
0x8a: {  	s1 =	srdreg.scid  }
0x8b: {  	s0 =	sand.u32 $0x1, s1  }
0x8c: {  	s16 =	sshll.u32 s0, $0xA;
	s2 =	sadd.s32 s3, s2  }
0x8d: {  	s2 =	sadd.s32 s2, s16  }
0x8e: {  	[smem:$0x3FB2] =	sst s2  }
0x8f: {  	_ = 	snop  }
0x90: {  	(tm) =	ssettm $0x1  }
0x91: {  	s17 =	sld [smem:$0x3FFB];
	_ =	sdelay $0x3  }
0x92: {  	_ =	strace s17  }
0x93: {  	s2 =	sld [smem:$0x3FFC];
	_ =	sdelay $0x3  }
0x94: {  	_ =	strace s2  }
0x95: {  	s2 =	sld [smem:$0x3FFD];
	_ =	sdelay $0x3  }
0x96: {  	_ =	strace s2  }
0x97: {  	_ =	strace $0x8FFFFFFF  }
0x98: {  	s18 =	sld [smem:$0x3FDB];
	_ =	sdelay $0x1  }
0x99: {  	s19 =	simm.s32 $_scs_section_size  }
0x9a: {  	s4 =	simm.s32 $_size__tile_overlayer_lowered;
	s5 =	simm.s32 $_tile_overlayer_lowered  }
0x9b: {  	s22 =	simm.s32 $0x1BFF;
	s21 =	sshll.u32 s5, $0x1;
	s2 =	sadd.s32 s19, s18  }
0x9c: {  	s6 =	simm.s32 $0x0;
	s20 =	sshll.u32 s4, $0x1;
	s4 =	sadd.s32 s21, s2  }
0x9d: {  	[timem:s6], [sflag:s22] =	dma.local [hbm:s4], s20  }
0x9e: {  	_ =	swait.ge [sflag:s22], s20  }
0x9f: {  	s3 =	ssub.s32 $0x0, s20;
	[sflag:s22] =	ssyncset.done $0x0  }
0xa0: {  	[sflag:s22] =	ssyncadd.s32 s3;
	_ =	sdelay $0x1  }
0xa1: {  	s23 =	simm.s32 $0x1B8B  }
0xa2: {  	_ =	swait.ge [sflag:s23], $0x1  }
0xa3: {  	[sflag:s23] =	ssyncset.done $0x0  }
0xa4: {  	s25 =	simm.s32 $0x1B8E;
	s24 =	sld [smem:$0x3FFE];
	[sflag:s23] =	ssyncadd.s32 $0xFFFFFFFF  }
0xa5: {  	s26 =	simm.s32 $execute0_lowered;
	[smem:$0x3FD2] =	sst s25  }
0xa6: {  	s4 =	sshll.u32 s26, $0x1;
	_ =	strace $0x8000004C;
	[dreg:$0x1] =	wrdreg $0xFFFFFFFF  }
0xa7: {  	s28 =	simm.s32 $_size_execute0_lowered;
	s2 =	sadd.s32 s2, s4;
	[dreg:$0x0] =	wrdreg $0x0  }
0xa8: {  	s4 =	sshll.u32 s28, $0x1;
	[dreg:$0x2] =	wrdreg s2  }
0xa9: {  	[dreg:$0x3] =	wrdreg s4  }
0xaa: {  	[dreg:$0x4] =	wrdreg $0xC0  }
0xab: {  	_ =	task [dreg:s6], $0x5FFFF  }
0xac: {  	[dreg:$0x1] =	wrdreg $0xFFFFFFFF  }
0xad: {  	[dreg:$0x0] =	wrdreg $0x60  }
0xae: {  	[dreg:$0x2] =	wrdreg s24  }
0xaf: {  	[dreg:$0x3] =	wrdreg $0x15F900  }
0xb0: {  	[dreg:$0x4] =	wrdreg $0x9  }
0xb1: {  	_ =	task.clear_ibuf [dreg:s6], $0x5FFFF;
	_ =	strace $0x9000004C  }
0xb2: {  	s29 =	simm.s32 $0x9;
	_ =	strace $0x8000004E  }
0xb3: {  	_ =	swait.ge [sflag:s29], $0x1  }
0xb4: {  	[sflag:s29] =	ssyncadd.s32 $0xFFFFFFFF  }
0xb5: {  	_ =	strace $0x9000004E  }
0xb6: {  	_ =	sfence  }
0xb7: {  	s30 =	sld [smem:$0x0];
	_ =	sdelay $0x2  }
0xb8: {  	s31 =	sshll.u32 s1, $0xD;
	s1 =	sshrl.u32 s1, $0x2  }
0xb9: {  	s3 =	sand.u32 $0x4000, s31;
	s1 =	sadd.s32 s1, s30  }
0xba: {  	s0 =	sor.u32 s3, s0;
	s1 =	sshll.u32 s1, $0x11  }
0xbb: {  	s0 =	sor.u32 s1, s0  }
0xbc: {  	s0 =	sadd.s32 $0x8F2B, s0  }
0xbd: {  	[sflag:s0] =	ssyncadd.remote.s32 $0x1  }
0xbe: {  	_ =	sfence.sel $0xFFFF  }
0xbf: {  	[dreg:$0x0] =	wrdreg $0xFFFFFFFF;
	(pc) =	sbr.abs _section_cstart, $3  }
0xc0: {  	[dreg:$0x1] =	wrdreg $0xFFFFFFFF  }
0xc1: {  	_ =	task.clear_ibuf [dreg:s6], $0x2FFFF;
	_ =	strace $0x9FFFFFFF  }
0xc2: {  	(tm) =	ssettm $0x7FFFFFFF  }
0xc3: {  	_ =	shalt  }
tec
execute0_lowered:
.L_overlay_start_1:
0x0: {  	(tag) =	ssettag $0x1  }
0x1: {  	s0 =	srdreg.scid;
	s4 =	stileid.u32  }
0x2: {  	s5 =	sand.u32 $0x1, s0;
	s6 =	sshll.u32 s4, $0x1  }
0x3: {  	s6 =	sor.u32 s5, s6;
	s5 =	ssub.s32 $0x2, s5  }
0x4: {  	s9 =	sshrl.u32 s5, $0x1  }
0x5: {  	s5 =	ssub.s32 s5, s9  }
0x6: {  	s3 =	rddreg [dreg:$0x0];
	s5 =	smax.u32 s5, $0x1  }
0x7: {  	s1 =	rddreg [dreg:$0x1];
	s2 =	simm.s32 $0x0;
	s12 =	sadd.s32 $0xFFFFFFFF, s5  }
0x8: {  	s0 =	rddreg [dreg:$0x2];
	s7 =	smul.u32 $0x4E2, s6;
	p2 =	sne.s32 s12, $0x0  }
.Ltmp0:
0x9: {  	p1 =	por $0x0, $0x0;
	[smem:$0x7FF] =	sst s2;
	(pc) =	sbr.rel @!p2 .LBB2_3-.Ltmp0, $4  }
0xa: {  	p0 =	sne.s32 s4, $0x0;
	s4 =	simm.s32 $0x2;
	s8 =	smul.u32 $0x2710, s6  }
0xb: {  	_ =	strace $0x8000004D;
	s6 =	sadd.s32 $0x5800, s3;
	s9 =	sshrl.u32 @!p0 s1, $0x3  }
0xc: {  	s7 =	sadd.s32 s7, s3;
	s3 =	sadd.s32 s8, s3;
	s8 =	simm.s32 $0x1  }
0xd: {  	s7 =	sadd.s32 $0x2F200, s7;
	s3 =	sadd.s32 $0x42E00, s3;
	s5 =	simm.s32 $0x2710  }
0xe: {  	s10 =	simm.s32 @!p0 $0x1C02;
	s11 =	simm.s32 @!p0 $0x2  }
0xf: {  	[spmem:s9], [sflag:s10] =	dma.local @!p0 [hbm:s6], $0x2710  }
0x10: {  	_ =	swait.ge @!p0 [sflag:s11], $0x2710  }
0x11: {  	[sflag:s11] =	ssyncset.done @!p0 $0x0  }
0x12: {  	[sflag:s11] =	ssyncadd.s32 @!p0 $0xFFFFD8F0  }
0x13: {  	[tilespmem:s2], [sflag:$0x2] =	stream.linear.gather [hbm4b:s7+s2], $0x2710, $0x38;
	[tilespmem:$0x17318] =	vst v63  }
0x14: {  	_ =	swait.ge [sflag:s4], $0x2710  }
0x15: {  	[sflag:s4] =	ssyncset.done $0x0  }
0x16: {  	[sflag:s4] =	ssyncadd.s32 $0xFFFFD8F0  }
0x17: {  	s12 =	sadd.s32 $0xFFFFFFFF, s12;
	[bflag:$0x0] =	sbarrier.arrive $0xFFFF  }
0x18: {  	[tilespmem:s5], [sflag:$0x1] =	stream.indirect.gather [spmem:s1], $0x8, s2, s5, $0xb8;
	[tilespmem:$0x17318] =	vst v63  }
0x19: {  	p2 =	sne.s32 s12, $0x0;
	_ =	swait.ge [sflag:s8], $0x13880  }
.Ltmp1:
0x1a: {  	[sflag:s8] =	ssyncset.done $0x0;
	(pc) =	sbr.rel @!p2 .LBB2_3-.Ltmp1, $4  }
0x1b: {  	[sflag:s8] =	ssyncadd.s32 $0xFFFEC780  }
0x1c: {  	[hbm4b:s3+s2] =	stream.linear.scatter [tilespmem:s5], [sflag:$0x2], $0x13880, $0x38;
	[tilespmem:$0x17318] =	vst v63  }
0x1d: {  	_ =	swait.ge [sflag:s4], $0x13880  }
0x1e: {  	p1 =	por $0x1, $0x1;
	[sflag:s4] =	ssyncset.done $0x0  }
.LBB2_2:
0x1f: {  	[sflag:s4] =	ssyncadd.s32 $0xFFFEC780  }
0x20: {  	[spmem:s9], [sflag:s10] =	dma.local @!p0 [hbm:s6], $0x2710  }
0x21: {  	s12 =	sadd.s32 $0xFFFFFFFF, s12;
	_ =	swait.ge @!p0 [sflag:s11], $0x2710  }
0x22: {  	p2 =	sne.s32 s12, $0x0;
	[sflag:s11] =	ssyncset.done @!p0 $0x0  }
0x23: {  	[sflag:s11] =	ssyncadd.s32 @!p0 $0xFFFFD8F0  }
0x24: {  	[tilespmem:s2], [sflag:$0x2] =	stream.linear.gather [hbm4b:s7+s2], $0x2710, $0x38;
	[tilespmem:$0x17318] =	vst v63  }
0x25: {  	_ =	swait.ge [sflag:s4], $0x2710  }
0x26: {  	[sflag:s4] =	ssyncset.done $0x0  }
0x27: {  	[sflag:s4] =	ssyncadd.s32 $0xFFFFD8F0  }
0x28: {  	[bflag:$0x0] =	sbarrier.arrive $0xFFFF  }
0x29: {  	[tilespmem:s5], [sflag:$0x1] =	stream.indirect.gather [spmem:s1], $0x8, s2, s5, $0xb8;
	[tilespmem:$0x17318] =	vst v63  }
0x2a: {  	_ =	swait.ge [sflag:s8], $0x13880  }
.Ltmp2:
0x2b: {  	[sflag:s8] =	ssyncset.done $0x0;
	(pc) =	sbr.rel @p2 .LBB2_2-.Ltmp2, $4  }
0x2c: {  	[sflag:s8] =	ssyncadd.s32 $0xFFFEC780  }
0x2d: {  	[hbm4b:s3+s2] =	stream.linear.scatter [tilespmem:s5], [sflag:$0x2], $0x13880, $0x38;
	[tilespmem:$0x17318] =	vst v63  }
0x2e: {  	_ =	swait.ge [sflag:s4], $0x13880  }
0x2f: {  	[sflag:s4] =	ssyncset.done $0x0  }
.LBB2_3:
0x30: {  	s10 =	simm.s32 @!p0 $0x1C02;
	s11 =	simm.s32 @!p0 $0x2;
	[sflag:s4] =	ssyncadd.s32 @p1 $0xFFFEC780  }
0x31: {  	[spmem:s9], [sflag:s10] =	dma.local @!p0 [hbm:s6], $0x2710  }
0x32: {  	_ =	swait.ge @!p0 [sflag:s11], $0x2710  }
0x33: {  	[sflag:s11] =	ssyncset.done @!p0 $0x0  }
0x34: {  	[sflag:s11] =	ssyncadd.s32 @!p0 $0xFFFFD8F0  }
0x35: {  	[tilespmem:s2], [sflag:$0x2] =	stream.linear.gather [hbm4b:s7+s2], $0x2710, $0x38;
	[tilespmem:$0x17318] =	vst v63  }
0x36: {  	_ =	swait.ge [sflag:s4], $0x2710  }
0x37: {  	[sflag:s4] =	ssyncset.done $0x0  }
0x38: {  	[sflag:s4] =	ssyncadd.s32 $0xFFFFD8F0  }
0x39: {  	[bflag:$0x0] =	sbarrier.arrive $0xFFFF  }
0x3a: {  	[tilespmem:s5], [sflag:$0x1] =	stream.indirect.gather [spmem:s1], $0x8, s2, s5, $0xb8;
	[tilespmem:$0x17318] =	vst v63  }
0x3b: {  	_ =	swait.ge [sflag:s8], $0x13880  }
0x3c: {  	[sflag:s8] =	ssyncset.done $0x0  }
0x3d: {  	[sflag:s8] =	ssyncadd.s32 $0xFFFEC780  }
0x3e: {  	[hbm4b:s3+s2] =	stream.linear.scatter [tilespmem:s5], [sflag:$0x2], $0x13880, $0x38;
	[tilespmem:$0x17318] =	vst v63  }
0x3f: {  	_ =	swait.ge [sflag:s4], $0x13880  }
0x40: {  	[sflag:s4] =	ssyncset.done $0x0  }
0x41: {  	[sflag:s4] =	ssyncadd.s32 $0xFFFEC780  }
0x42: {  	_ =	sfence.sel $0x180000  }
0x43: {  	[bflag:$0x0] =	sbarrier.arrive $0xFFFF  }
0x44: {  	_ =	strace $0x9000004D  }
0x45: {  	s0 =	sadd.s32 @!p0 $0x100000, s0;
	[bflag:$0x2] =	sbarrier.arrive $0xFFFF  }
0x46: {  	[sflag:s0] =	ssyncadd.tile.s32 @!p0 $0x1;
	_ =	shalt  }
.Lfunc_end2:
_tile_overlayer_lowered:
.L_overlay_start_2:
0x47: {  	(tag) =	ssettag $0x2  }
0x48: {  	s0 =	rddreg [dreg:$0x0];
	s2 =	stileid.u32  }
0x49: {  	s1 =	rddreg [dreg:$0x1];
	p0 =	sne.s32 s2, $0x0  }
0x4a: {  	s3 =	rddreg [dreg:$0x2];
	[bflag:$0x3] =	sbarrier.arrive $0xFFFF;
	s2 =	simm.s32 @!p0 $0x1C02  }
0x4b: {  	[timem:s3], [sflag:s2] =	dma.local @!p0 [hbm:s0], s1  }
0x4c: {  	s0 =	simm.s32 @!p0 $0x2  }
0x4d: {  	_ =	swait.ge @!p0 [sflag:s0], s1  }
0x4e: {  	s1 =	ssub.s32 @!p0 $0x0, s1;
	[sflag:s0] =	ssyncset.done @!p0 $0x0  }
0x4f: {  	[sflag:s0] =	ssyncadd.s32 @!p0 s1  }
0x50: {  	[bflag:$0x3] =	sbarrier.arrive $0xFFFF  }
0x51: {  	_ =	shalt  }

// kernel: kernel.25.cloned.1.call-start
scs
__scs_entry_jumppad:
0x0: {  	(pc) =	sbr.rel $0x88, $3  }
0x1: {  	(tag) =	ssettag $0x0;
	lr =	simm.s32 $0x1  }
0x2: {  	[smem:$0x3F8B] =	sst lr;
	_ =	strace $0xD0000000  }
0x3: {  	_ = 	snop  }
0x4: {  	_ = 	snop  }
0x5: {  	_ = 	snop  }
0x6: {  	_ = 	snop  }
0x7: {  	_ = 	snop  }
__scs_overlays_trampoline_lowered:
0x8: {  	[smem:$0x3F9A] =	sst s0  }
0x9: {  	[smem:$0x3F9B] =	sst s1  }
0xa: {  	[smem:$0x3F9C] =	sst s2  }
0xb: {  	[smem:$0x3F9D] =	sst s3  }
0xc: {  	[smem:$0x3F9E] =	sst s4  }
0xd: {  	[smem:$0x3F9F] =	sst s5  }
0xe: {  	[smem:$0x3FA0] =	sst s6  }
0xf: {  	[smem:$0x3FA1] =	sst s7  }
0x10: {  	[smem:$0x3FA2] =	sst s8  }
0x11: {  	[smem:$0x3FA3] =	sst s9;
	s0 =	simm.s32 @!p0 $0x0  }
0x12: {  	s1 =	sld [smem:$0x3F89];
	s0 =	simm.s32 @p0 $0x1  }
0x13: {  	[smem:$0x3FA4] =	sst s0;
	s0 =	simm.s32 @!p1 $0x0  }
0x14: {  	s2 =	sld [smem:$0x3F88];
	s0 =	simm.s32 @p1 $0x1  }
0x15: {  	[smem:$0x3FA5] =	sst s0;
	s0 =	simm.s32 @!p2 $0x0  }
0x16: {  	s3 =	sld [smem:$0x3FDB];
	s0 =	simm.s32 @p2 $0x1  }
0x17: {  	s4 =	simm.s32 $0x1BF5;
	[smem:$0x3FA7] =	sst s0  }
0x18: {  	s0 =	sld [smem:$0x3F8A];
	_ =	swait.ge [sflag:s4], $0x0  }
0x19: {  	s7 =	sld [smem:$0x3F8B]  }
0x1a: {  	s8 =	sadd.s32 $0xFFFFE003, lr  }
0x1b: {  	s9 =	sadd.s32 $0xFFFFFEF7, lr;
	s5 =	simm.s32 $0xFFFFFFFF;
	p2 =	slt.u32 s8, $0xFFFFF086  }
0x1c: {  	p1 =	slt.u32 s9, $0xF7A;
	s5 =	simm.s32 @!p2 $0x0  }
0x1d: {  	s5 =	simm.s32 @p1 $0x1;
	p0 =	seq.s32 s7, s2  }
0x1e: {  	s7 =	smul.u32 @!p0 $0xF7A, s2;
	p2 =	seq.s32 @!p0 s5, $0x0  }
0x1f: {  	s9 =	smul.u32 $0xF7A, s1;
	s8 =	simm.s32 @!p0 $0x1BF5;
	p2 =	por !p2, p0  }
0x20: {  	[sflag:s8] =	ssyncset.s32 @!p0 $0xFFFFF086;
	s6 =	sadd.s32 @!p0 s3, s7;
	s7 =	simm.s32 @!p0 $0x108  }
0x21: {  	s3 =	sadd.s32 s3, s9;
	s6 =	sadd.s32 @!p0 $0x88, s6;
	s7 =	simm.s32 @p2 $0x1082  }
0x22: {  	[simem:s7], [sflag:s8] =	dma.local @!p0 [hbm:s6], $0xF7A  }
0x23: {  	s9 =	sor.u32 $0xD0000000, s2;
	s6 =	simm.s32 $0x108;
	_ =	swait.ge @!p0 [sflag:s8], $0x0  }
0x24: {  	s3 =	sadd.s32 $0x88, s3;
	s6 =	simm.s32 @!p1 $0x1082;
	[sflag:s4] =	ssyncset.s32 $0xFFFFF086  }
0x25: {  	[simem:s6], [sflag:s4] =	dma.local [hbm:s3], $0xF7A  }
0x26: {  	[smem:$0x3F8B] =	sst s1;
	(tag) =	ssettag s2;
	_ =	strace s9  }
0x27: {  	s1 =	sld [smem:$0x3F9B]  }
0x28: {  	s2 =	sld [smem:$0x3F9C]  }
0x29: {  	s4 =	sld [smem:$0x3F9E]  }
0x2a: {  	p0 =	seq.s32 s5, $0x0;
	s5 =	sld [smem:$0x3F9F]  }
0x2b: {  	s6 =	sld [smem:$0x3FA0]  }
0x2c: {  	s7 =	sld [smem:$0x3FA1]  }
0x2d: {  	s3 =	simm.s32 $0x108;
	s8 =	sld [smem:$0x3FA2]  }
0x2e: {  	s3 =	simm.s32 @!p0 $0x1082;
	s9 =	sld [smem:$0x3FA3]  }
0x2f: {  	lr =	sadd.s32 s0, s3;
	s0 =	sld [smem:$0x3F9A]  }
0x30: {  	s3 =	sld [smem:$0x3F9D]  }
0x31: {  	[smem:$0x3FA6] =	sst s10  }
0x32: {  	s10 =	sld [smem:$0x3FA4];
	_ =	sdelay $0x3  }
0x33: {  	p0 =	seq.s32 s10, $0x1;
	s10 =	sld [smem:$0x3FA6];
	_ =	sdelay $0x3  }
0x34: {  	[smem:$0x3FA6] =	sst s10  }
0x35: {  	s10 =	sld [smem:$0x3FA5];
	_ =	sdelay $0x3  }
0x36: {  	p1 =	seq.s32 s10, $0x1;
	s10 =	sld [smem:$0x3FA6];
	_ =	sdelay $0x3  }
0x37: {  	[smem:$0x3FA6] =	sst s10  }
0x38: {  	s10 =	sld [smem:$0x3FA7]  }
0x39: {  	_ = 	snop;
	(pc) =	sbr.ind lr, $3  }
0x3a: {  	_ = 	snop  }
0x3b: {  	_ = 	snop  }
0x3c: {  	p2 =	seq.s32 s10, $0x1;
	s10 =	sld [smem:$0x3FA6]  }
0x3d: {  	_ =	shalt  }
0x3e: {  	_ =	shalt  }
0x3f: {  	_ =	shalt  }
0x40: {  	_ =	shalt  }
0x41: {  	_ =	shalt  }
0x42: {  	_ =	shalt  }
0x43: {  	_ =	shalt  }
0x44: {  	_ =	shalt  }
0x45: {  	_ =	shalt  }
0x46: {  	_ =	shalt  }
0x47: {  	_ =	shalt  }
0x48: {  	_ =	shalt  }
0x49: {  	_ =	shalt  }
0x4a: {  	_ =	shalt  }
0x4b: {  	_ =	shalt  }
0x4c: {  	_ =	shalt  }
0x4d: {  	_ =	shalt  }
0x4e: {  	_ =	shalt  }
0x4f: {  	_ =	shalt  }
0x50: {  	_ =	shalt  }
0x51: {  	_ =	shalt  }
0x52: {  	_ =	shalt  }
0x53: {  	_ =	shalt  }
0x54: {  	_ =	shalt  }
0x55: {  	_ =	shalt  }
0x56: {  	_ =	shalt  }
0x57: {  	_ =	shalt  }
0x58: {  	_ =	shalt  }
0x59: {  	_ =	shalt  }
0x5a: {  	_ =	shalt  }
0x5b: {  	_ =	shalt  }
0x5c: {  	_ =	shalt  }
0x5d: {  	_ =	shalt  }
0x5e: {  	_ =	shalt  }
0x5f: {  	_ =	shalt  }
0x60: {  	_ =	shalt  }
0x61: {  	_ =	shalt  }
0x62: {  	_ =	shalt  }
0x63: {  	_ =	shalt  }
0x64: {  	_ =	shalt  }
0x65: {  	_ =	shalt  }
0x66: {  	_ =	shalt  }
0x67: {  	_ =	shalt  }
0x68: {  	_ =	shalt  }
0x69: {  	_ =	shalt  }
0x6a: {  	_ =	shalt  }
0x6b: {  	_ =	shalt  }
0x6c: {  	_ =	shalt  }
0x6d: {  	_ =	shalt  }
0x6e: {  	_ =	shalt  }
0x6f: {  	_ =	shalt  }
0x70: {  	_ =	shalt  }
0x71: {  	_ =	shalt  }
0x72: {  	_ =	shalt  }
0x73: {  	_ =	shalt  }
0x74: {  	_ =	shalt  }
0x75: {  	_ =	shalt  }
0x76: {  	_ =	shalt  }
0x77: {  	_ =	shalt  }
0x78: {  	_ =	shalt  }
0x79: {  	_ =	shalt  }
0x7a: {  	_ =	shalt  }
0x7b: {  	_ =	shalt  }
0x7c: {  	_ =	shalt  }
0x7d: {  	_ =	shalt  }
0x7e: {  	_ =	shalt  }
0x7f: {  	_ =	shalt  }
0x80: {  	_ =	shalt  }
0x81: {  	_ =	shalt  }
0x82: {  	_ =	shalt  }
0x83: {  	_ =	shalt  }
0x84: {  	_ =	shalt  }
0x85: {  	_ =	shalt  }
0x86: {  	_ =	shalt  }
0x87: {  	_ =	shalt  }
.Lfunc_end0:
.L_simem_size_0:
called_computation.3_lowered:
.L_overlay_start_0:
0x88: {  	s2 =	sld [smem:$0x3FD9]  }
0x89: {  	s3 =	sld [smem:$0x3FFE];
	_ =	sdelay $0x1  }
0x8a: {  	s1 =	srdreg.scid  }
0x8b: {  	s0 =	sand.u32 $0x1, s1  }
0x8c: {  	s16 =	sshll.u32 s0, $0xA;
	s2 =	sadd.s32 s3, s2  }
0x8d: {  	s2 =	sadd.s32 s2, s16  }
0x8e: {  	[smem:$0x3FB2] =	sst s2  }
0x8f: {  	_ = 	snop  }
0x90: {  	(tm) =	ssettm $0x1  }
0x91: {  	s17 =	sld [smem:$0x3FFB];
	_ =	sdelay $0x3  }
0x92: {  	_ =	strace s17  }
0x93: {  	s2 =	sld [smem:$0x3FFC];
	_ =	sdelay $0x3  }
0x94: {  	_ =	strace s2  }
0x95: {  	s2 =	sld [smem:$0x3FFD];
	_ =	sdelay $0x3  }
0x96: {  	_ =	strace s2  }
0x97: {  	_ =	strace $0x8FFFFFFF  }
0x98: {  	s18 =	sld [smem:$0x3FDB];
	_ =	sdelay $0x1  }
0x99: {  	s19 =	simm.s32 $_scs_section_size  }
0x9a: {  	s4 =	simm.s32 $_size__tile_overlayer_lowered;
	s5 =	simm.s32 $_tile_overlayer_lowered  }
0x9b: {  	s22 =	simm.s32 $0x1BFF;
	s21 =	sshll.u32 s5, $0x1;
	s2 =	sadd.s32 s19, s18  }
0x9c: {  	s6 =	simm.s32 $0x0;
	s20 =	sshll.u32 s4, $0x1;
	s4 =	sadd.s32 s21, s2  }
0x9d: {  	[timem:s6], [sflag:s22] =	dma.local [hbm:s4], s20  }
0x9e: {  	_ =	swait.ge [sflag:s22], s20  }
0x9f: {  	s3 =	ssub.s32 $0x0, s20;
	[sflag:s22] =	ssyncset.done $0x0  }
0xa0: {  	[sflag:s22] =	ssyncadd.s32 s3;
	_ =	sdelay $0x1  }
0xa1: {  	s23 =	simm.s32 $0x1B8B  }
0xa2: {  	_ =	swait.ge [sflag:s23], $0x1  }
0xa3: {  	[sflag:s23] =	ssyncset.done $0x0  }
0xa4: {  	s25 =	simm.s32 $0x1B8E;
	s24 =	sld [smem:$0x3FFE];
	[sflag:s23] =	ssyncadd.s32 $0xFFFFFFFF  }
0xa5: {  	s26 =	simm.s32 $execute0_lowered;
	[smem:$0x3FD2] =	sst s25  }
0xa6: {  	s4 =	sshll.u32 s26, $0x1;
	_ =	strace $0x8000004F;
	[dreg:$0x1] =	wrdreg $0xFFFFFFFF  }
0xa7: {  	s28 =	simm.s32 $_size_execute0_lowered;
	s2 =	sadd.s32 s2, s4;
	[dreg:$0x0] =	wrdreg $0x0  }
0xa8: {  	s4 =	sshll.u32 s28, $0x1;
	[dreg:$0x2] =	wrdreg s2  }
0xa9: {  	[dreg:$0x3] =	wrdreg s4  }
0xaa: {  	[dreg:$0x4] =	wrdreg $0xC0  }
0xab: {  	_ =	task [dreg:s6], $0x5FFFF  }
0xac: {  	[dreg:$0x1] =	wrdreg $0xFFFFFFFF  }
0xad: {  	[dreg:$0x0] =	wrdreg $0x60  }
0xae: {  	[dreg:$0x2] =	wrdreg s24  }
0xaf: {  	[dreg:$0x3] =	wrdreg $0x15F900  }
0xb0: {  	[dreg:$0x4] =	wrdreg $0x9  }
0xb1: {  	_ =	task.clear_ibuf [dreg:s6], $0x5FFFF;
	_ =	strace $0x9000004F  }
0xb2: {  	s29 =	simm.s32 $0x9;
	_ =	strace $0x80000051  }
0xb3: {  	_ =	swait.ge [sflag:s29], $0x1  }
0xb4: {  	[sflag:s29] =	ssyncadd.s32 $0xFFFFFFFF  }
0xb5: {  	_ =	strace $0x90000051  }
0xb6: {  	_ =	sfence  }
0xb7: {  	s30 =	sld [smem:$0x0];
	_ =	sdelay $0x2  }
0xb8: {  	s31 =	sshll.u32 s1, $0xD;
	s1 =	sshrl.u32 s1, $0x2  }
0xb9: {  	s3 =	sand.u32 $0x4000, s31;
	s1 =	sadd.s32 s1, s30  }
0xba: {  	s0 =	sor.u32 s3, s0;
	s1 =	sshll.u32 s1, $0x11  }
0xbb: {  	s0 =	sor.u32 s1, s0  }
0xbc: {  	s0 =	sadd.s32 $0x8F2B, s0  }
0xbd: {  	[sflag:s0] =	ssyncadd.remote.s32 $0x1  }
0xbe: {  	_ =	sfence.sel $0xFFFF  }
0xbf: {  	[dreg:$0x0] =	wrdreg $0xFFFFFFFF;
	(pc) =	sbr.abs _section_cstart, $3  }
0xc0: {  	[dreg:$0x1] =	wrdreg $0xFFFFFFFF  }
0xc1: {  	_ =	task.clear_ibuf [dreg:s6], $0x2FFFF;
	_ =	strace $0x9FFFFFFF  }
0xc2: {  	(tm) =	ssettm $0x7FFFFFFF  }
0xc3: {  	_ =	shalt  }
tec
execute0_lowered:
.L_overlay_start_1:
0x0: {  	(tag) =	ssettag $0x1  }
0x1: {  	s0 =	srdreg.scid  }
0x2: {  	s5 =	sand.u32 $0x1, s0  }
0x3: {  	s8 =	ssub.s32 $0x2, s5  }
0x4: {  	s3 =	rddreg [dreg:$0x0];
	s4 =	stileid.u32;
	s30 =	sshrl.u32 s8, $0x1  }
0x5: {  	s1 =	rddreg [dreg:$0x1];
	s6 =	sshll.u32 s4, $0x1;
	s8 =	ssub.s32 s8, s30  }
0x6: {  	s2 =	simm.s32 $0x0;
	s6 =	sor.u32 s5, s6;
	s31 =	smax.u32 s8, $0x1  }
0x7: {  	p1 =	por $0x0, $0x0;
	s7 =	smul.u32 $0x2710, s6;
	s12 =	sadd.s32 $0xFFFFFFFF, s31  }
0x8: {  	s0 =	rddreg [dreg:$0x2];
	s6 =	smul.u32 $0x4E2, s6;
	p2 =	sne.s32 s12, $0x0  }
.Ltmp0:
0x9: {  	[smem:$0x7FF] =	sst s2;
	s9 =	sadd.s32 $0x2CA00, s3;
	(pc) =	sbr.rel @!p2 .LBB2_3-.Ltmp0, $4  }
0xa: {  	p0 =	sne.s32 s4, $0x0;
	_ =	strace $0x80000050;
	s5 =	smul.u32 $0x2710, s5  }
0xb: {  	s4 =	sshrl.u32 @!p0 s1, $0x3;
	s10 =	sadd.s32 s7, s3;
	s6 =	sadd.s32 s6, s3  }
0xc: {  	s3 =	sadd.s32 s5, s3;
	s5 =	simm.s32 $0x1;
	s8 =	simm.s32 $0x2710  }
0xd: {  	s7 =	sadd.s32 $0x39000, s6;
	s6 =	sadd.s32 $0x42E00, s10;
	s3 =	sadd.s32 $0x5800, s3  }
0xe: {  	s11 =	simm.s32 @!p0 $0x1C01;
	s10 =	simm.s32 @!p0 $0x1  }
0xf: {  	[spmem:s4], [sflag:s11] =	dma.local @!p0 [hbm:s9], $0x2710  }
0x10: {  	_ =	swait.ge @!p0 [sflag:s10], $0x2710  }
0x11: {  	[sflag:s10] =	ssyncset.done @!p0 $0x0  }
0x12: {  	[sflag:s10] =	ssyncadd.s32 @!p0 $0xFFFFD8F0  }
0x13: {  	[bflag:$0x0] =	sbarrier.arrive $0xFFFF  }
0x14: {  	[tilespmem:s2], [sflag:$0x1] =	stream.linear.gather [hbm4b:s7+s2], $0x2710, $0x38;
	[tilespmem:$0x17318] =	vst v63  }
0x15: {  	_ =	swait.ge [sflag:s5], $0x2710  }
0x16: {  	[sflag:s5] =	ssyncset.done $0x0  }
0x17: {  	[sflag:s5] =	ssyncadd.s32 $0xFFFFD8F0  }
0x18: {  	[tilespmem:s8], [sflag:$0x1] =	stream.linear.gather [hbm4b:s6+s2], $0x13880, $0x38;
	[tilespmem:$0x17318] =	vst v63  }
0x19: {  	_ =	swait.ge [sflag:s5], $0x13880  }
0x1a: {  	[sflag:s5] =	ssyncset.done $0x0  }
0x1b: {  	[sflag:s5] =	ssyncadd.s32 $0xFFFEC780  }
0x1c: {  	[spmem:s1] =	stream.indirect.scatter.add.f32 [tilespmem:s8], [sflag:$0x1], $0x8, s2, s8, $0xb8;
	[tilespmem:$0x17318] =	vst v63  }
0x1d: {  	s12 =	sadd.s32 $0xFFFFFFFF, s12;
	_ =	swait.ge [sflag:s5], $0x13880  }
0x1e: {  	p2 =	sne.s32 s12, $0x0;
	[sflag:s5] =	ssyncset.done $0x0  }
.Ltmp1:
0x1f: {  	[sflag:s5] =	ssyncadd.s32 $0xFFFEC780;
	(pc) =	sbr.rel @!p2 .LBB2_3-.Ltmp1, $4  }
0x20: {  	[bflag:$0x0] =	sbarrier.arrive $0xFFFF  }
0x21: {  	[hbm:s3], [sflag:s11] =	dma.local @!p0 [spmem:s4], $0x2710  }
0x22: {  	_ =	swait.ge @!p0 [sflag:s10], $0x2710  }
0x23: {  	p1 =	por $0x1, $0x1;
	[sflag:s10] =	ssyncset.done @!p0 $0x0  }
.LBB2_2:
0x24: {  	[sflag:s10] =	ssyncadd.s32 @!p0 $0xFFFFD8F0  }
0x25: {  	[spmem:s4], [sflag:s11] =	dma.local @!p0 [hbm:s9], $0x2710  }
0x26: {  	s12 =	sadd.s32 $0xFFFFFFFF, s12;
	_ =	swait.ge @!p0 [sflag:s10], $0x2710  }
0x27: {  	p2 =	sne.s32 s12, $0x0;
	[sflag:s10] =	ssyncset.done @!p0 $0x0  }
0x28: {  	[sflag:s10] =	ssyncadd.s32 @!p0 $0xFFFFD8F0  }
0x29: {  	[bflag:$0x0] =	sbarrier.arrive $0xFFFF  }
0x2a: {  	[tilespmem:s2], [sflag:$0x1] =	stream.linear.gather [hbm4b:s7+s2], $0x2710, $0x38;
	[tilespmem:$0x17318] =	vst v63  }
0x2b: {  	_ =	swait.ge [sflag:s5], $0x2710  }
0x2c: {  	[sflag:s5] =	ssyncset.done $0x0  }
0x2d: {  	[sflag:s5] =	ssyncadd.s32 $0xFFFFD8F0  }
0x2e: {  	[tilespmem:s8], [sflag:$0x1] =	stream.linear.gather [hbm4b:s6+s2], $0x13880, $0x38;
	[tilespmem:$0x17318] =	vst v63  }
0x2f: {  	_ =	swait.ge [sflag:s5], $0x13880  }
0x30: {  	[sflag:s5] =	ssyncset.done $0x0  }
0x31: {  	[sflag:s5] =	ssyncadd.s32 $0xFFFEC780  }
0x32: {  	[spmem:s1] =	stream.indirect.scatter.add.f32 [tilespmem:s8], [sflag:$0x1], $0x8, s2, s8, $0xb8;
	[tilespmem:$0x17318] =	vst v63  }
0x33: {  	_ =	swait.ge [sflag:s5], $0x13880  }
0x34: {  	[sflag:s5] =	ssyncset.done $0x0  }
.Ltmp2:
0x35: {  	[sflag:s5] =	ssyncadd.s32 $0xFFFEC780;
	(pc) =	sbr.rel @p2 .LBB2_2-.Ltmp2, $4  }
0x36: {  	[bflag:$0x0] =	sbarrier.arrive $0xFFFF  }
0x37: {  	[hbm:s3], [sflag:s11] =	dma.local @!p0 [spmem:s4], $0x2710  }
0x38: {  	_ =	swait.ge @!p0 [sflag:s10], $0x2710  }
0x39: {  	[sflag:s10] =	ssyncset.done @!p0 $0x0  }
.LBB2_3:
0x3a: {  	p1 =	por p0, !p1  }
0x3b: {  	s11 =	simm.s32 @!p0 $0x1C01;
	s12 =	simm.s32 @!p0 $0x1;
	[sflag:s10] =	ssyncadd.s32 @!p1 $0xFFFFD8F0  }
0x3c: {  	[spmem:s4], [sflag:s11] =	dma.local @!p0 [hbm:s9], $0x2710  }
0x3d: {  	_ =	swait.ge @!p0 [sflag:s12], $0x2710  }
0x3e: {  	[sflag:s12] =	ssyncset.done @!p0 $0x0  }
0x3f: {  	[sflag:s12] =	ssyncadd.s32 @!p0 $0xFFFFD8F0  }
0x40: {  	[bflag:$0x0] =	sbarrier.arrive $0xFFFF  }
0x41: {  	[tilespmem:s2], [sflag:$0x1] =	stream.linear.gather [hbm4b:s7+s2], $0x2710, $0x38;
	[tilespmem:$0x17318] =	vst v63  }
0x42: {  	_ =	swait.ge [sflag:s5], $0x2710  }
0x43: {  	[sflag:s5] =	ssyncset.done $0x0  }
0x44: {  	[sflag:s5] =	ssyncadd.s32 $0xFFFFD8F0  }
0x45: {  	[tilespmem:s8], [sflag:$0x1] =	stream.linear.gather [hbm4b:s6+s2], $0x13880, $0x38;
	[tilespmem:$0x17318] =	vst v63  }
0x46: {  	_ =	swait.ge [sflag:s5], $0x13880  }
0x47: {  	[sflag:s5] =	ssyncset.done $0x0  }
0x48: {  	[sflag:s5] =	ssyncadd.s32 $0xFFFEC780  }
0x49: {  	[spmem:s1] =	stream.indirect.scatter.add.f32 [tilespmem:s8], [sflag:$0x1], $0x8, s2, s8, $0xb8;
	[tilespmem:$0x17318] =	vst v63  }
0x4a: {  	_ =	swait.ge [sflag:s5], $0x13880  }
0x4b: {  	[sflag:s5] =	ssyncset.done $0x0  }
0x4c: {  	[sflag:s5] =	ssyncadd.s32 $0xFFFEC780  }
0x4d: {  	[bflag:$0x0] =	sbarrier.arrive $0xFFFF  }
0x4e: {  	[hbm:s3], [sflag:s11] =	dma.local @!p0 [spmem:s4], $0x2710  }
0x4f: {  	_ =	swait.ge @!p0 [sflag:s12], $0x2710  }
0x50: {  	[sflag:s12] =	ssyncset.done @!p0 $0x0  }
0x51: {  	[sflag:s12] =	ssyncadd.s32 @!p0 $0xFFFFD8F0  }
0x52: {  	_ =	sfence.sel $0x180000  }
0x53: {  	[bflag:$0x0] =	sbarrier.arrive $0xFFFF  }
0x54: {  	_ =	strace $0x90000050  }
0x55: {  	s0 =	sadd.s32 @!p0 $0x100000, s0;
	[bflag:$0x2] =	sbarrier.arrive $0xFFFF  }
0x56: {  	[sflag:s0] =	ssyncadd.tile.s32 @!p0 $0x1;
	_ =	shalt  }
.Lfunc_end2:
_tile_overlayer_lowered:
.L_overlay_start_2:
0x57: {  	(tag) =	ssettag $0x2  }
0x58: {  	s0 =	rddreg [dreg:$0x0];
	s2 =	stileid.u32  }
0x59: {  	s1 =	rddreg [dreg:$0x1];
	p0 =	sne.s32 s2, $0x0  }
0x5a: {  	s3 =	rddreg [dreg:$0x2];
	[bflag:$0x3] =	sbarrier.arrive $0xFFFF;
	s2 =	simm.s32 @!p0 $0x1C01  }
0x5b: {  	[timem:s3], [sflag:s2] =	dma.local @!p0 [hbm:s0], s1  }
0x5c: {  	s0 =	simm.s32 @!p0 $0x1  }
0x5d: {  	_ =	swait.ge @!p0 [sflag:s0], s1  }
0x5e: {  	s1 =	ssub.s32 @!p0 $0x0, s1;
	[sflag:s0] =	ssyncset.done @!p0 $0x0  }
0x5f: {  	[sflag:s0] =	ssyncadd.s32 @!p0 s1  }
0x60: {  	[bflag:$0x3] =	sbarrier.arrive $0xFFFF  }
0x61: {  	_ =	shalt  }

// kernel: kernel.28.cloned.1.call-start
scs
__scs_entry_jumppad:
0x0: {  	(pc) =	sbr.rel $0x88, $3  }
0x1: {  	(tag) =	ssettag $0x0;
	lr =	simm.s32 $0x1  }
0x2: {  	[smem:$0x3F8B] =	sst lr;
	_ =	strace $0xD0000000  }
0x3: {  	_ = 	snop  }
0x4: {  	_ = 	snop  }
0x5: {  	_ = 	snop  }
0x6: {  	_ = 	snop  }
0x7: {  	_ = 	snop  }
__scs_overlays_trampoline_lowered:
0x8: {  	[smem:$0x3F9A] =	sst s0  }
0x9: {  	[smem:$0x3F9B] =	sst s1  }
0xa: {  	[smem:$0x3F9C] =	sst s2  }
0xb: {  	[smem:$0x3F9D] =	sst s3  }
0xc: {  	[smem:$0x3F9E] =	sst s4  }
0xd: {  	[smem:$0x3F9F] =	sst s5  }
0xe: {  	[smem:$0x3FA0] =	sst s6  }
0xf: {  	[smem:$0x3FA1] =	sst s7  }
0x10: {  	[smem:$0x3FA2] =	sst s8  }
0x11: {  	[smem:$0x3FA3] =	sst s9;
	s0 =	simm.s32 @!p0 $0x0  }
0x12: {  	s1 =	sld [smem:$0x3F89];
	s0 =	simm.s32 @p0 $0x1  }
0x13: {  	[smem:$0x3FA4] =	sst s0;
	s0 =	simm.s32 @!p1 $0x0  }
0x14: {  	s2 =	sld [smem:$0x3F88];
	s0 =	simm.s32 @p1 $0x1  }
0x15: {  	[smem:$0x3FA5] =	sst s0;
	s0 =	simm.s32 @!p2 $0x0  }
0x16: {  	s3 =	sld [smem:$0x3FDB];
	s0 =	simm.s32 @p2 $0x1  }
0x17: {  	s4 =	simm.s32 $0x1BF5;
	[smem:$0x3FA7] =	sst s0  }
0x18: {  	s0 =	sld [smem:$0x3F8A];
	_ =	swait.ge [sflag:s4], $0x0  }
0x19: {  	s7 =	sld [smem:$0x3F8B]  }
0x1a: {  	s8 =	sadd.s32 $0xFFFFE003, lr  }
0x1b: {  	s9 =	sadd.s32 $0xFFFFFEF7, lr;
	s5 =	simm.s32 $0xFFFFFFFF;
	p2 =	slt.u32 s8, $0xFFFFF086  }
0x1c: {  	p1 =	slt.u32 s9, $0xF7A;
	s5 =	simm.s32 @!p2 $0x0  }
0x1d: {  	s5 =	simm.s32 @p1 $0x1;
	p0 =	seq.s32 s7, s2  }
0x1e: {  	s7 =	smul.u32 @!p0 $0xF7A, s2;
	p2 =	seq.s32 @!p0 s5, $0x0  }
0x1f: {  	s9 =	smul.u32 $0xF7A, s1;
	s8 =	simm.s32 @!p0 $0x1BF5;
	p2 =	por !p2, p0  }
0x20: {  	[sflag:s8] =	ssyncset.s32 @!p0 $0xFFFFF086;
	s6 =	sadd.s32 @!p0 s3, s7;
	s7 =	simm.s32 @!p0 $0x108  }
0x21: {  	s3 =	sadd.s32 s3, s9;
	s6 =	sadd.s32 @!p0 $0x88, s6;
	s7 =	simm.s32 @p2 $0x1082  }
0x22: {  	[simem:s7], [sflag:s8] =	dma.local @!p0 [hbm:s6], $0xF7A  }
0x23: {  	s9 =	sor.u32 $0xD0000000, s2;
	s6 =	simm.s32 $0x108;
	_ =	swait.ge @!p0 [sflag:s8], $0x0  }
0x24: {  	s3 =	sadd.s32 $0x88, s3;
	s6 =	simm.s32 @!p1 $0x1082;
	[sflag:s4] =	ssyncset.s32 $0xFFFFF086  }
0x25: {  	[simem:s6], [sflag:s4] =	dma.local [hbm:s3], $0xF7A  }
0x26: {  	[smem:$0x3F8B] =	sst s1;
	(tag) =	ssettag s2;
	_ =	strace s9  }
0x27: {  	s1 =	sld [smem:$0x3F9B]  }
0x28: {  	s2 =	sld [smem:$0x3F9C]  }
0x29: {  	s4 =	sld [smem:$0x3F9E]  }
0x2a: {  	p0 =	seq.s32 s5, $0x0;
	s5 =	sld [smem:$0x3F9F]  }
0x2b: {  	s6 =	sld [smem:$0x3FA0]  }
0x2c: {  	s7 =	sld [smem:$0x3FA1]  }
0x2d: {  	s3 =	simm.s32 $0x108;
	s8 =	sld [smem:$0x3FA2]  }
0x2e: {  	s3 =	simm.s32 @!p0 $0x1082;
	s9 =	sld [smem:$0x3FA3]  }
0x2f: {  	lr =	sadd.s32 s0, s3;
	s0 =	sld [smem:$0x3F9A]  }
0x30: {  	s3 =	sld [smem:$0x3F9D]  }
0x31: {  	[smem:$0x3FA6] =	sst s10  }
0x32: {  	s10 =	sld [smem:$0x3FA4];
	_ =	sdelay $0x3  }
0x33: {  	p0 =	seq.s32 s10, $0x1;
	s10 =	sld [smem:$0x3FA6];
	_ =	sdelay $0x3  }
0x34: {  	[smem:$0x3FA6] =	sst s10  }
0x35: {  	s10 =	sld [smem:$0x3FA5];
	_ =	sdelay $0x3  }
0x36: {  	p1 =	seq.s32 s10, $0x1;
	s10 =	sld [smem:$0x3FA6];
	_ =	sdelay $0x3  }
0x37: {  	[smem:$0x3FA6] =	sst s10  }
0x38: {  	s10 =	sld [smem:$0x3FA7]  }
0x39: {  	_ = 	snop;
	(pc) =	sbr.ind lr, $3  }
0x3a: {  	_ = 	snop  }
0x3b: {  	_ = 	snop  }
0x3c: {  	p2 =	seq.s32 s10, $0x1;
	s10 =	sld [smem:$0x3FA6]  }
0x3d: {  	_ =	shalt  }
0x3e: {  	_ =	shalt  }
0x3f: {  	_ =	shalt  }
0x40: {  	_ =	shalt  }
0x41: {  	_ =	shalt  }
0x42: {  	_ =	shalt  }
0x43: {  	_ =	shalt  }
0x44: {  	_ =	shalt  }
0x45: {  	_ =	shalt  }
0x46: {  	_ =	shalt  }
0x47: {  	_ =	shalt  }
0x48: {  	_ =	shalt  }
0x49: {  	_ =	shalt  }
0x4a: {  	_ =	shalt  }
0x4b: {  	_ =	shalt  }
0x4c: {  	_ =	shalt  }
0x4d: {  	_ =	shalt  }
0x4e: {  	_ =	shalt  }
0x4f: {  	_ =	shalt  }
0x50: {  	_ =	shalt  }
0x51: {  	_ =	shalt  }
0x52: {  	_ =	shalt  }
0x53: {  	_ =	shalt  }
0x54: {  	_ =	shalt  }
0x55: {  	_ =	shalt  }
0x56: {  	_ =	shalt  }
0x57: {  	_ =	shalt  }
0x58: {  	_ =	shalt  }
0x59: {  	_ =	shalt  }
0x5a: {  	_ =	shalt  }
0x5b: {  	_ =	shalt  }
0x5c: {  	_ =	shalt  }
0x5d: {  	_ =	shalt  }
0x5e: {  	_ =	shalt  }
0x5f: {  	_ =	shalt  }
0x60: {  	_ =	shalt  }
0x61: {  	_ =	shalt  }
0x62: {  	_ =	shalt  }
0x63: {  	_ =	shalt  }
0x64: {  	_ =	shalt  }
0x65: {  	_ =	shalt  }
0x66: {  	_ =	shalt  }
0x67: {  	_ =	shalt  }
0x68: {  	_ =	shalt  }
0x69: {  	_ =	shalt  }
0x6a: {  	_ =	shalt  }
0x6b: {  	_ =	shalt  }
0x6c: {  	_ =	shalt  }
0x6d: {  	_ =	shalt  }
0x6e: {  	_ =	shalt  }
0x6f: {  	_ =	shalt  }
0x70: {  	_ =	shalt  }
0x71: {  	_ =	shalt  }
0x72: {  	_ =	shalt  }
0x73: {  	_ =	shalt  }
0x74: {  	_ =	shalt  }
0x75: {  	_ =	shalt  }
0x76: {  	_ =	shalt  }
0x77: {  	_ =	shalt  }
0x78: {  	_ =	shalt  }
0x79: {  	_ =	shalt  }
0x7a: {  	_ =	shalt  }
0x7b: {  	_ =	shalt  }
0x7c: {  	_ =	shalt  }
0x7d: {  	_ =	shalt  }
0x7e: {  	_ =	shalt  }
0x7f: {  	_ =	shalt  }
0x80: {  	_ =	shalt  }
0x81: {  	_ =	shalt  }
0x82: {  	_ =	shalt  }
0x83: {  	_ =	shalt  }
0x84: {  	_ =	shalt  }
0x85: {  	_ =	shalt  }
0x86: {  	_ =	shalt  }
0x87: {  	_ =	shalt  }
.Lfunc_end0:
.L_simem_size_0:
called_computation.4_lowered:
.L_overlay_start_0:
0x88: {  	s2 =	sld [smem:$0x3FD9]  }
0x89: {  	s3 =	sld [smem:$0x3FFE];
	_ =	sdelay $0x1  }
0x8a: {  	s1 =	srdreg.scid  }
0x8b: {  	s0 =	sand.u32 $0x1, s1  }
0x8c: {  	s16 =	sshll.u32 s0, $0xA;
	s2 =	sadd.s32 s3, s2  }
0x8d: {  	s2 =	sadd.s32 s2, s16  }
0x8e: {  	[smem:$0x3FB2] =	sst s2  }
0x8f: {  	_ = 	snop  }
0x90: {  	(tm) =	ssettm $0x1  }
0x91: {  	s17 =	sld [smem:$0x3FFB];
	_ =	sdelay $0x3  }
0x92: {  	_ =	strace s17  }
0x93: {  	s2 =	sld [smem:$0x3FFC];
	_ =	sdelay $0x3  }
0x94: {  	_ =	strace s2  }
0x95: {  	s2 =	sld [smem:$0x3FFD];
	_ =	sdelay $0x3  }
0x96: {  	_ =	strace s2  }
0x97: {  	_ =	strace $0x8FFFFFFF  }
0x98: {  	s18 =	sld [smem:$0x3FDB];
	_ =	sdelay $0x1  }
0x99: {  	s19 =	simm.s32 $_scs_section_size  }
0x9a: {  	s4 =	simm.s32 $_size__tile_overlayer_lowered;
	s5 =	simm.s32 $_tile_overlayer_lowered  }
0x9b: {  	s22 =	simm.s32 $0x1BFF;
	s21 =	sshll.u32 s5, $0x1;
	s2 =	sadd.s32 s19, s18  }
0x9c: {  	s6 =	simm.s32 $0x0;
	s20 =	sshll.u32 s4, $0x1;
	s4 =	sadd.s32 s21, s2  }
0x9d: {  	[timem:s6], [sflag:s22] =	dma.local [hbm:s4], s20  }
0x9e: {  	_ =	swait.ge [sflag:s22], s20  }
0x9f: {  	s3 =	ssub.s32 $0x0, s20;
	[sflag:s22] =	ssyncset.done $0x0  }
0xa0: {  	[sflag:s22] =	ssyncadd.s32 s3;
	_ =	sdelay $0x1  }
0xa1: {  	s23 =	simm.s32 $0x1B8B  }
0xa2: {  	_ =	swait.ge [sflag:s23], $0x1  }
0xa3: {  	[sflag:s23] =	ssyncset.done $0x0  }
0xa4: {  	s25 =	simm.s32 $0x1B8E;
	s24 =	sld [smem:$0x3FFE];
	[sflag:s23] =	ssyncadd.s32 $0xFFFFFFFF  }
0xa5: {  	s26 =	simm.s32 $execute0_lowered;
	[smem:$0x3FD2] =	sst s25  }
0xa6: {  	s4 =	sshll.u32 s26, $0x1;
	_ =	strace $0x80000052;
	[dreg:$0x1] =	wrdreg $0xFFFFFFFF  }
0xa7: {  	s28 =	simm.s32 $_size_execute0_lowered;
	s2 =	sadd.s32 s2, s4;
	[dreg:$0x0] =	wrdreg $0x0  }
0xa8: {  	s4 =	sshll.u32 s28, $0x1;
	[dreg:$0x2] =	wrdreg s2  }
0xa9: {  	[dreg:$0x3] =	wrdreg s4  }
0xaa: {  	[dreg:$0x4] =	wrdreg $0xC0  }
0xab: {  	_ =	task [dreg:s6], $0x5FFFF  }
0xac: {  	[dreg:$0x1] =	wrdreg $0xFFFFFFFF  }
0xad: {  	[dreg:$0x0] =	wrdreg $0x60  }
0xae: {  	[dreg:$0x2] =	wrdreg s24  }
0xaf: {  	[dreg:$0x3] =	wrdreg $0x15F900  }
0xb0: {  	[dreg:$0x4] =	wrdreg $0x9  }
0xb1: {  	_ =	task.clear_ibuf [dreg:s6], $0x5FFFF;
	_ =	strace $0x90000052  }
0xb2: {  	s29 =	simm.s32 $0x9;
	_ =	strace $0x80000054  }
0xb3: {  	_ =	swait.ge [sflag:s29], $0x1  }
0xb4: {  	[sflag:s29] =	ssyncadd.s32 $0xFFFFFFFF  }
0xb5: {  	_ =	strace $0x90000054  }
0xb6: {  	_ =	sfence  }
0xb7: {  	s30 =	sld [smem:$0x0];
	_ =	sdelay $0x2  }
0xb8: {  	s31 =	sshll.u32 s1, $0xD;
	s1 =	sshrl.u32 s1, $0x2  }
0xb9: {  	s3 =	sand.u32 $0x4000, s31;
	s1 =	sadd.s32 s1, s30  }
0xba: {  	s0 =	sor.u32 s3, s0;
	s1 =	sshll.u32 s1, $0x11  }
0xbb: {  	s0 =	sor.u32 s1, s0  }
0xbc: {  	s0 =	sadd.s32 $0x8F2B, s0  }
0xbd: {  	[sflag:s0] =	ssyncadd.remote.s32 $0x1  }
0xbe: {  	_ =	sfence.sel $0xFFFF  }
0xbf: {  	[dreg:$0x0] =	wrdreg $0xFFFFFFFF;
	(pc) =	sbr.abs _section_cstart, $3  }
0xc0: {  	[dreg:$0x1] =	wrdreg $0xFFFFFFFF  }
0xc1: {  	_ =	task.clear_ibuf [dreg:s6], $0x2FFFF;
	_ =	strace $0x9FFFFFFF  }
0xc2: {  	(tm) =	ssettm $0x7FFFFFFF  }
0xc3: {  	_ =	shalt  }
tec
execute0_lowered:
.L_overlay_start_1:
0x0: {  	(tag) =	ssettag $0x1  }
0x1: {  	s0 =	srdreg.scid;
	s4 =	stileid.u32  }
0x2: {  	s5 =	sand.u32 $0x1, s0;
	s6 =	sshll.u32 s4, $0x1  }
0x3: {  	s6 =	sor.u32 s5, s6;
	s5 =	ssub.s32 $0x2, s5  }
0x4: {  	s9 =	sshrl.u32 s5, $0x1  }
0x5: {  	s5 =	ssub.s32 s5, s9  }
0x6: {  	s3 =	rddreg [dreg:$0x0];
	s5 =	smax.u32 s5, $0x1  }
0x7: {  	s1 =	rddreg [dreg:$0x1];
	s2 =	simm.s32 $0x0;
	s12 =	sadd.s32 $0xFFFFFFFF, s5  }
0x8: {  	s0 =	rddreg [dreg:$0x2];
	s7 =	smul.u32 $0x4E2, s6;
	p2 =	sne.s32 s12, $0x0  }
.Ltmp0:
0x9: {  	p1 =	por $0x0, $0x0;
	[smem:$0x7FF] =	sst s2;
	(pc) =	sbr.rel @!p2 .LBB2_3-.Ltmp0, $4  }
0xa: {  	p0 =	sne.s32 s4, $0x0;
	s4 =	simm.s32 $0x2;
	s8 =	smul.u32 $0x2710, s6  }
0xb: {  	_ =	strace $0x80000053;
	s6 =	sadd.s32 $0x5800, s3;
	s9 =	sshrl.u32 @!p0 s1, $0x3  }
0xc: {  	s7 =	sadd.s32 s7, s3;
	s3 =	sadd.s32 s8, s3;
	s8 =	simm.s32 $0x1  }
0xd: {  	s7 =	sadd.s32 $0x2F200, s7;
	s3 =	sadd.s32 $0x42E00, s3;
	s5 =	simm.s32 $0x2710  }
0xe: {  	s10 =	simm.s32 @!p0 $0x1C02;
	s11 =	simm.s32 @!p0 $0x2  }
0xf: {  	[spmem:s9], [sflag:s10] =	dma.local @!p0 [hbm:s6], $0x2710  }
0x10: {  	_ =	swait.ge @!p0 [sflag:s11], $0x2710  }
0x11: {  	[sflag:s11] =	ssyncset.done @!p0 $0x0  }
0x12: {  	[sflag:s11] =	ssyncadd.s32 @!p0 $0xFFFFD8F0  }
0x13: {  	[tilespmem:s2], [sflag:$0x2] =	stream.linear.gather [hbm4b:s7+s2], $0x2710, $0x38;
	[tilespmem:$0x17318] =	vst v63  }
0x14: {  	_ =	swait.ge [sflag:s4], $0x2710  }
0x15: {  	[sflag:s4] =	ssyncset.done $0x0  }
0x16: {  	[sflag:s4] =	ssyncadd.s32 $0xFFFFD8F0  }
0x17: {  	s12 =	sadd.s32 $0xFFFFFFFF, s12;
	[bflag:$0x0] =	sbarrier.arrive $0xFFFF  }
0x18: {  	[tilespmem:s5], [sflag:$0x1] =	stream.indirect.gather [spmem:s1], $0x8, s2, s5, $0xb8;
	[tilespmem:$0x17318] =	vst v63  }
0x19: {  	p2 =	sne.s32 s12, $0x0;
	_ =	swait.ge [sflag:s8], $0x13880  }
.Ltmp1:
0x1a: {  	[sflag:s8] =	ssyncset.done $0x0;
	(pc) =	sbr.rel @!p2 .LBB2_3-.Ltmp1, $4  }
0x1b: {  	[sflag:s8] =	ssyncadd.s32 $0xFFFEC780  }
0x1c: {  	[hbm4b:s3+s2] =	stream.linear.scatter [tilespmem:s5], [sflag:$0x2], $0x13880, $0x38;
	[tilespmem:$0x17318] =	vst v63  }
0x1d: {  	_ =	swait.ge [sflag:s4], $0x13880  }
0x1e: {  	p1 =	por $0x1, $0x1;
	[sflag:s4] =	ssyncset.done $0x0  }
.LBB2_2:
0x1f: {  	[sflag:s4] =	ssyncadd.s32 $0xFFFEC780  }
0x20: {  	[spmem:s9], [sflag:s10] =	dma.local @!p0 [hbm:s6], $0x2710  }
0x21: {  	s12 =	sadd.s32 $0xFFFFFFFF, s12;
	_ =	swait.ge @!p0 [sflag:s11], $0x2710  }
0x22: {  	p2 =	sne.s32 s12, $0x0;
	[sflag:s11] =	ssyncset.done @!p0 $0x0  }
0x23: {  	[sflag:s11] =	ssyncadd.s32 @!p0 $0xFFFFD8F0  }
0x24: {  	[tilespmem:s2], [sflag:$0x2] =	stream.linear.gather [hbm4b:s7+s2], $0x2710, $0x38;
	[tilespmem:$0x17318] =	vst v63  }
0x25: {  	_ =	swait.ge [sflag:s4], $0x2710  }
0x26: {  	[sflag:s4] =	ssyncset.done $0x0  }
0x27: {  	[sflag:s4] =	ssyncadd.s32 $0xFFFFD8F0  }
0x28: {  	[bflag:$0x0] =	sbarrier.arrive $0xFFFF  }
0x29: {  	[tilespmem:s5], [sflag:$0x1] =	stream.indirect.gather [spmem:s1], $0x8, s2, s5, $0xb8;
	[tilespmem:$0x17318] =	vst v63  }
0x2a: {  	_ =	swait.ge [sflag:s8], $0x13880  }
.Ltmp2:
0x2b: {  	[sflag:s8] =	ssyncset.done $0x0;
	(pc) =	sbr.rel @p2 .LBB2_2-.Ltmp2, $4  }
0x2c: {  	[sflag:s8] =	ssyncadd.s32 $0xFFFEC780  }
0x2d: {  	[hbm4b:s3+s2] =	stream.linear.scatter [tilespmem:s5], [sflag:$0x2], $0x13880, $0x38;
	[tilespmem:$0x17318] =	vst v63  }
0x2e: {  	_ =	swait.ge [sflag:s4], $0x13880  }
0x2f: {  	[sflag:s4] =	ssyncset.done $0x0  }
.LBB2_3:
0x30: {  	s10 =	simm.s32 @!p0 $0x1C02;
	s11 =	simm.s32 @!p0 $0x2;
	[sflag:s4] =	ssyncadd.s32 @p1 $0xFFFEC780  }
0x31: {  	[spmem:s9], [sflag:s10] =	dma.local @!p0 [hbm:s6], $0x2710  }
0x32: {  	_ =	swait.ge @!p0 [sflag:s11], $0x2710  }
0x33: {  	[sflag:s11] =	ssyncset.done @!p0 $0x0  }
0x34: {  	[sflag:s11] =	ssyncadd.s32 @!p0 $0xFFFFD8F0  }
0x35: {  	[tilespmem:s2], [sflag:$0x2] =	stream.linear.gather [hbm4b:s7+s2], $0x2710, $0x38;
	[tilespmem:$0x17318] =	vst v63  }
0x36: {  	_ =	swait.ge [sflag:s4], $0x2710  }
0x37: {  	[sflag:s4] =	ssyncset.done $0x0  }
0x38: {  	[sflag:s4] =	ssyncadd.s32 $0xFFFFD8F0  }
0x39: {  	[bflag:$0x0] =	sbarrier.arrive $0xFFFF  }
0x3a: {  	[tilespmem:s5], [sflag:$0x1] =	stream.indirect.gather [spmem:s1], $0x8, s2, s5, $0xb8;
	[tilespmem:$0x17318] =	vst v63  }
0x3b: {  	_ =	swait.ge [sflag:s8], $0x13880  }
0x3c: {  	[sflag:s8] =	ssyncset.done $0x0  }
0x3d: {  	[sflag:s8] =	ssyncadd.s32 $0xFFFEC780  }
0x3e: {  	[hbm4b:s3+s2] =	stream.linear.scatter [tilespmem:s5], [sflag:$0x2], $0x13880, $0x38;
	[tilespmem:$0x17318] =	vst v63  }
0x3f: {  	_ =	swait.ge [sflag:s4], $0x13880  }
0x40: {  	[sflag:s4] =	ssyncset.done $0x0  }
0x41: {  	[sflag:s4] =	ssyncadd.s32 $0xFFFEC780  }
0x42: {  	_ =	sfence.sel $0x180000  }
0x43: {  	[bflag:$0x0] =	sbarrier.arrive $0xFFFF  }
0x44: {  	_ =	strace $0x90000053  }
0x45: {  	s0 =	sadd.s32 @!p0 $0x100000, s0;
	[bflag:$0x2] =	sbarrier.arrive $0xFFFF  }
0x46: {  	[sflag:s0] =	ssyncadd.tile.s32 @!p0 $0x1;
	_ =	shalt  }
.Lfunc_end2:
_tile_overlayer_lowered:
.L_overlay_start_2:
0x47: {  	(tag) =	ssettag $0x2  }
0x48: {  	s0 =	rddreg [dreg:$0x0];
	s2 =	stileid.u32  }
0x49: {  	s1 =	rddreg [dreg:$0x1];
	p0 =	sne.s32 s2, $0x0  }
0x4a: {  	s3 =	rddreg [dreg:$0x2];
	[bflag:$0x3] =	sbarrier.arrive $0xFFFF;
	s2 =	simm.s32 @!p0 $0x1C02  }
0x4b: {  	[timem:s3], [sflag:s2] =	dma.local @!p0 [hbm:s0], s1  }
0x4c: {  	s0 =	simm.s32 @!p0 $0x2  }
0x4d: {  	_ =	swait.ge @!p0 [sflag:s0], s1  }
0x4e: {  	s1 =	ssub.s32 @!p0 $0x0, s1;
	[sflag:s0] =	ssyncset.done @!p0 $0x0  }
0x4f: {  	[sflag:s0] =	ssyncadd.s32 @!p0 s1  }
0x50: {  	[bflag:$0x3] =	sbarrier.arrive $0xFFFF  }
0x51: {  	_ =	shalt  }

// kernel: kernel.31.cloned.1.call-start
scs
__scs_entry_jumppad:
0x0: {  	(pc) =	sbr.rel $0x88, $3  }
0x1: {  	(tag) =	ssettag $0x0;
	lr =	simm.s32 $0x1  }
0x2: {  	[smem:$0x3F8B] =	sst lr;
	_ =	strace $0xD0000000  }
0x3: {  	_ = 	snop  }
0x4: {  	_ = 	snop  }
0x5: {  	_ = 	snop  }
0x6: {  	_ = 	snop  }
0x7: {  	_ = 	snop  }
__scs_overlays_trampoline_lowered:
0x8: {  	[smem:$0x3F9A] =	sst s0  }
0x9: {  	[smem:$0x3F9B] =	sst s1  }
0xa: {  	[smem:$0x3F9C] =	sst s2  }
0xb: {  	[smem:$0x3F9D] =	sst s3  }
0xc: {  	[smem:$0x3F9E] =	sst s4  }
0xd: {  	[smem:$0x3F9F] =	sst s5  }
0xe: {  	[smem:$0x3FA0] =	sst s6  }
0xf: {  	[smem:$0x3FA1] =	sst s7  }
0x10: {  	[smem:$0x3FA2] =	sst s8  }
0x11: {  	[smem:$0x3FA3] =	sst s9;
	s0 =	simm.s32 @!p0 $0x0  }
0x12: {  	s1 =	sld [smem:$0x3F89];
	s0 =	simm.s32 @p0 $0x1  }
0x13: {  	[smem:$0x3FA4] =	sst s0;
	s0 =	simm.s32 @!p1 $0x0  }
0x14: {  	s2 =	sld [smem:$0x3F88];
	s0 =	simm.s32 @p1 $0x1  }
0x15: {  	[smem:$0x3FA5] =	sst s0;
	s0 =	simm.s32 @!p2 $0x0  }
0x16: {  	s3 =	sld [smem:$0x3FDB];
	s0 =	simm.s32 @p2 $0x1  }
0x17: {  	s4 =	simm.s32 $0x1BF5;
	[smem:$0x3FA7] =	sst s0  }
0x18: {  	s0 =	sld [smem:$0x3F8A];
	_ =	swait.ge [sflag:s4], $0x0  }
0x19: {  	s7 =	sld [smem:$0x3F8B]  }
0x1a: {  	s8 =	sadd.s32 $0xFFFFE003, lr  }
0x1b: {  	s9 =	sadd.s32 $0xFFFFFEF7, lr;
	s5 =	simm.s32 $0xFFFFFFFF;
	p2 =	slt.u32 s8, $0xFFFFF086  }
0x1c: {  	p1 =	slt.u32 s9, $0xF7A;
	s5 =	simm.s32 @!p2 $0x0  }
0x1d: {  	s5 =	simm.s32 @p1 $0x1;
	p0 =	seq.s32 s7, s2  }
0x1e: {  	s7 =	smul.u32 @!p0 $0xF7A, s2;
	p2 =	seq.s32 @!p0 s5, $0x0  }
0x1f: {  	s9 =	smul.u32 $0xF7A, s1;
	s8 =	simm.s32 @!p0 $0x1BF5;
	p2 =	por !p2, p0  }
0x20: {  	[sflag:s8] =	ssyncset.s32 @!p0 $0xFFFFF086;
	s6 =	sadd.s32 @!p0 s3, s7;
	s7 =	simm.s32 @!p0 $0x108  }
0x21: {  	s3 =	sadd.s32 s3, s9;
	s6 =	sadd.s32 @!p0 $0x88, s6;
	s7 =	simm.s32 @p2 $0x1082  }
0x22: {  	[simem:s7], [sflag:s8] =	dma.local @!p0 [hbm:s6], $0xF7A  }
0x23: {  	s9 =	sor.u32 $0xD0000000, s2;
	s6 =	simm.s32 $0x108;
	_ =	swait.ge @!p0 [sflag:s8], $0x0  }
0x24: {  	s3 =	sadd.s32 $0x88, s3;
	s6 =	simm.s32 @!p1 $0x1082;
	[sflag:s4] =	ssyncset.s32 $0xFFFFF086  }
0x25: {  	[simem:s6], [sflag:s4] =	dma.local [hbm:s3], $0xF7A  }
0x26: {  	[smem:$0x3F8B] =	sst s1;
	(tag) =	ssettag s2;
	_ =	strace s9  }
0x27: {  	s1 =	sld [smem:$0x3F9B]  }
0x28: {  	s2 =	sld [smem:$0x3F9C]  }
0x29: {  	s4 =	sld [smem:$0x3F9E]  }
0x2a: {  	p0 =	seq.s32 s5, $0x0;
	s5 =	sld [smem:$0x3F9F]  }
0x2b: {  	s6 =	sld [smem:$0x3FA0]  }
0x2c: {  	s7 =	sld [smem:$0x3FA1]  }
0x2d: {  	s3 =	simm.s32 $0x108;
	s8 =	sld [smem:$0x3FA2]  }
0x2e: {  	s3 =	simm.s32 @!p0 $0x1082;
	s9 =	sld [smem:$0x3FA3]  }
0x2f: {  	lr =	sadd.s32 s0, s3;
	s0 =	sld [smem:$0x3F9A]  }
0x30: {  	s3 =	sld [smem:$0x3F9D]  }
0x31: {  	[smem:$0x3FA6] =	sst s10  }
0x32: {  	s10 =	sld [smem:$0x3FA4];
	_ =	sdelay $0x3  }
0x33: {  	p0 =	seq.s32 s10, $0x1;
	s10 =	sld [smem:$0x3FA6];
	_ =	sdelay $0x3  }
0x34: {  	[smem:$0x3FA6] =	sst s10  }
0x35: {  	s10 =	sld [smem:$0x3FA5];
	_ =	sdelay $0x3  }
0x36: {  	p1 =	seq.s32 s10, $0x1;
	s10 =	sld [smem:$0x3FA6];
	_ =	sdelay $0x3  }
0x37: {  	[smem:$0x3FA6] =	sst s10  }
0x38: {  	s10 =	sld [smem:$0x3FA7]  }
0x39: {  	_ = 	snop;
	(pc) =	sbr.ind lr, $3  }
0x3a: {  	_ = 	snop  }
0x3b: {  	_ = 	snop  }
0x3c: {  	p2 =	seq.s32 s10, $0x1;
	s10 =	sld [smem:$0x3FA6]  }
0x3d: {  	_ =	shalt  }
0x3e: {  	_ =	shalt  }
0x3f: {  	_ =	shalt  }
0x40: {  	_ =	shalt  }
0x41: {  	_ =	shalt  }
0x42: {  	_ =	shalt  }
0x43: {  	_ =	shalt  }
0x44: {  	_ =	shalt  }
0x45: {  	_ =	shalt  }
0x46: {  	_ =	shalt  }
0x47: {  	_ =	shalt  }
0x48: {  	_ =	shalt  }
0x49: {  	_ =	shalt  }
0x4a: {  	_ =	shalt  }
0x4b: {  	_ =	shalt  }
0x4c: {  	_ =	shalt  }
0x4d: {  	_ =	shalt  }
0x4e: {  	_ =	shalt  }
0x4f: {  	_ =	shalt  }
0x50: {  	_ =	shalt  }
0x51: {  	_ =	shalt  }
0x52: {  	_ =	shalt  }
0x53: {  	_ =	shalt  }
0x54: {  	_ =	shalt  }
0x55: {  	_ =	shalt  }
0x56: {  	_ =	shalt  }
0x57: {  	_ =	shalt  }
0x58: {  	_ =	shalt  }
0x59: {  	_ =	shalt  }
0x5a: {  	_ =	shalt  }
0x5b: {  	_ =	shalt  }
0x5c: {  	_ =	shalt  }
0x5d: {  	_ =	shalt  }
0x5e: {  	_ =	shalt  }
0x5f: {  	_ =	shalt  }
0x60: {  	_ =	shalt  }
0x61: {  	_ =	shalt  }
0x62: {  	_ =	shalt  }
0x63: {  	_ =	shalt  }
0x64: {  	_ =	shalt  }
0x65: {  	_ =	shalt  }
0x66: {  	_ =	shalt  }
0x67: {  	_ =	shalt  }
0x68: {  	_ =	shalt  }
0x69: {  	_ =	shalt  }
0x6a: {  	_ =	shalt  }
0x6b: {  	_ =	shalt  }
0x6c: {  	_ =	shalt  }
0x6d: {  	_ =	shalt  }
0x6e: {  	_ =	shalt  }
0x6f: {  	_ =	shalt  }
0x70: {  	_ =	shalt  }
0x71: {  	_ =	shalt  }
0x72: {  	_ =	shalt  }
0x73: {  	_ =	shalt  }
0x74: {  	_ =	shalt  }
0x75: {  	_ =	shalt  }
0x76: {  	_ =	shalt  }
0x77: {  	_ =	shalt  }
0x78: {  	_ =	shalt  }
0x79: {  	_ =	shalt  }
0x7a: {  	_ =	shalt  }
0x7b: {  	_ =	shalt  }
0x7c: {  	_ =	shalt  }
0x7d: {  	_ =	shalt  }
0x7e: {  	_ =	shalt  }
0x7f: {  	_ =	shalt  }
0x80: {  	_ =	shalt  }
0x81: {  	_ =	shalt  }
0x82: {  	_ =	shalt  }
0x83: {  	_ =	shalt  }
0x84: {  	_ =	shalt  }
0x85: {  	_ =	shalt  }
0x86: {  	_ =	shalt  }
0x87: {  	_ =	shalt  }
.Lfunc_end0:
.L_simem_size_0:
called_computation.5_lowered:
.L_overlay_start_0:
0x88: {  	s2 =	sld [smem:$0x3FD9]  }
0x89: {  	s3 =	sld [smem:$0x3FFE];
	_ =	sdelay $0x1  }
0x8a: {  	s1 =	srdreg.scid  }
0x8b: {  	s0 =	sand.u32 $0x1, s1  }
0x8c: {  	s16 =	sshll.u32 s0, $0xA;
	s2 =	sadd.s32 s3, s2  }
0x8d: {  	s2 =	sadd.s32 s2, s16  }
0x8e: {  	[smem:$0x3FB2] =	sst s2  }
0x8f: {  	_ = 	snop  }
0x90: {  	(tm) =	ssettm $0x1  }
0x91: {  	s17 =	sld [smem:$0x3FFB];
	_ =	sdelay $0x3  }
0x92: {  	_ =	strace s17  }
0x93: {  	s2 =	sld [smem:$0x3FFC];
	_ =	sdelay $0x3  }
0x94: {  	_ =	strace s2  }
0x95: {  	s2 =	sld [smem:$0x3FFD];
	_ =	sdelay $0x3  }
0x96: {  	_ =	strace s2  }
0x97: {  	_ =	strace $0x8FFFFFFF  }
0x98: {  	s18 =	sld [smem:$0x3FDB];
	_ =	sdelay $0x1  }
0x99: {  	s19 =	simm.s32 $_scs_section_size  }
0x9a: {  	s4 =	simm.s32 $_size__tile_overlayer_lowered;
	s5 =	simm.s32 $_tile_overlayer_lowered  }
0x9b: {  	s22 =	simm.s32 $0x1BFF;
	s21 =	sshll.u32 s5, $0x1;
	s2 =	sadd.s32 s19, s18  }
0x9c: {  	s6 =	simm.s32 $0x0;
	s20 =	sshll.u32 s4, $0x1;
	s4 =	sadd.s32 s21, s2  }
0x9d: {  	[timem:s6], [sflag:s22] =	dma.local [hbm:s4], s20  }
0x9e: {  	_ =	swait.ge [sflag:s22], s20  }
0x9f: {  	s3 =	ssub.s32 $0x0, s20;
	[sflag:s22] =	ssyncset.done $0x0  }
0xa0: {  	[sflag:s22] =	ssyncadd.s32 s3;
	_ =	sdelay $0x1  }
0xa1: {  	s23 =	simm.s32 $0x1B8B  }
0xa2: {  	_ =	swait.ge [sflag:s23], $0x1  }
0xa3: {  	[sflag:s23] =	ssyncset.done $0x0  }
0xa4: {  	s25 =	simm.s32 $0x1B8E;
	s24 =	sld [smem:$0x3FFE];
	[sflag:s23] =	ssyncadd.s32 $0xFFFFFFFF  }
0xa5: {  	s26 =	simm.s32 $execute0_lowered;
	[smem:$0x3FD2] =	sst s25  }
0xa6: {  	s4 =	sshll.u32 s26, $0x1;
	_ =	strace $0x80000055;
	[dreg:$0x1] =	wrdreg $0xFFFFFFFF  }
0xa7: {  	s28 =	simm.s32 $_size_execute0_lowered;
	s2 =	sadd.s32 s2, s4;
	[dreg:$0x0] =	wrdreg $0x0  }
0xa8: {  	s4 =	sshll.u32 s28, $0x1;
	[dreg:$0x2] =	wrdreg s2  }
0xa9: {  	[dreg:$0x3] =	wrdreg s4  }
0xaa: {  	[dreg:$0x4] =	wrdreg $0xC0  }
0xab: {  	_ =	task [dreg:s6], $0x5FFFF  }
0xac: {  	[dreg:$0x1] =	wrdreg $0xFFFFFFFF  }
0xad: {  	[dreg:$0x0] =	wrdreg $0x60  }
0xae: {  	[dreg:$0x2] =	wrdreg s24  }
0xaf: {  	[dreg:$0x3] =	wrdreg $0x15F900  }
0xb0: {  	[dreg:$0x4] =	wrdreg $0x9  }
0xb1: {  	_ =	task.clear_ibuf [dreg:s6], $0x5FFFF;
	_ =	strace $0x90000055  }
0xb2: {  	s29 =	simm.s32 $0x9;
	_ =	strace $0x80000057  }
0xb3: {  	_ =	swait.ge [sflag:s29], $0x1  }
0xb4: {  	[sflag:s29] =	ssyncadd.s32 $0xFFFFFFFF  }
0xb5: {  	_ =	strace $0x90000057  }
0xb6: {  	_ =	sfence  }
0xb7: {  	s30 =	sld [smem:$0x0];
	_ =	sdelay $0x2  }
0xb8: {  	s31 =	sshll.u32 s1, $0xD;
	s1 =	sshrl.u32 s1, $0x2  }
0xb9: {  	s3 =	sand.u32 $0x4000, s31;
	s1 =	sadd.s32 s1, s30  }
0xba: {  	s0 =	sor.u32 s3, s0;
	s1 =	sshll.u32 s1, $0x11  }
0xbb: {  	s0 =	sor.u32 s1, s0  }
0xbc: {  	s0 =	sadd.s32 $0x8F2B, s0  }
0xbd: {  	[sflag:s0] =	ssyncadd.remote.s32 $0x1  }
0xbe: {  	_ =	sfence.sel $0xFFFF  }
0xbf: {  	[dreg:$0x0] =	wrdreg $0xFFFFFFFF;
	(pc) =	sbr.abs _section_cstart, $3  }
0xc0: {  	[dreg:$0x1] =	wrdreg $0xFFFFFFFF  }
0xc1: {  	_ =	task.clear_ibuf [dreg:s6], $0x2FFFF;
	_ =	strace $0x9FFFFFFF  }
0xc2: {  	(tm) =	ssettm $0x7FFFFFFF  }
0xc3: {  	_ =	shalt  }
tec
execute0_lowered:
.L_overlay_start_1:
0x0: {  	(tag) =	ssettag $0x1  }
0x1: {  	s0 =	srdreg.scid  }
0x2: {  	s5 =	sand.u32 $0x1, s0  }
0x3: {  	s8 =	ssub.s32 $0x2, s5  }
0x4: {  	s3 =	rddreg [dreg:$0x0];
	s4 =	stileid.u32;
	s30 =	sshrl.u32 s8, $0x1  }
0x5: {  	s1 =	rddreg [dreg:$0x1];
	s6 =	sshll.u32 s4, $0x1;
	s8 =	ssub.s32 s8, s30  }
0x6: {  	s2 =	simm.s32 $0x0;
	s6 =	sor.u32 s5, s6;
	s31 =	smax.u32 s8, $0x1  }
0x7: {  	p1 =	por $0x0, $0x0;
	s7 =	smul.u32 $0x2710, s6;
	s12 =	sadd.s32 $0xFFFFFFFF, s31  }
0x8: {  	s0 =	rddreg [dreg:$0x2];
	s6 =	smul.u32 $0x4E2, s6;
	p2 =	sne.s32 s12, $0x0  }
.Ltmp0:
0x9: {  	[smem:$0x7FF] =	sst s2;
	s9 =	sadd.s32 $0x2CA00, s3;
	(pc) =	sbr.rel @!p2 .LBB2_3-.Ltmp0, $4  }
0xa: {  	p0 =	sne.s32 s4, $0x0;
	_ =	strace $0x80000056;
	s5 =	smul.u32 $0x2710, s5  }
0xb: {  	s4 =	sshrl.u32 @!p0 s1, $0x3;
	s10 =	sadd.s32 s7, s3;
	s6 =	sadd.s32 s6, s3  }
0xc: {  	s3 =	sadd.s32 s5, s3;
	s5 =	simm.s32 $0x1;
	s8 =	simm.s32 $0x2710  }
0xd: {  	s7 =	sadd.s32 $0x39000, s6;
	s6 =	sadd.s32 $0x42E00, s10;
	s3 =	sadd.s32 $0x2F200, s3  }
0xe: {  	s11 =	simm.s32 @!p0 $0x1C01;
	s10 =	simm.s32 @!p0 $0x1  }
0xf: {  	[spmem:s4], [sflag:s11] =	dma.local @!p0 [hbm:s9], $0x2710  }
0x10: {  	_ =	swait.ge @!p0 [sflag:s10], $0x2710  }
0x11: {  	[sflag:s10] =	ssyncset.done @!p0 $0x0  }
0x12: {  	[sflag:s10] =	ssyncadd.s32 @!p0 $0xFFFFD8F0  }
0x13: {  	[bflag:$0x0] =	sbarrier.arrive $0xFFFF  }
0x14: {  	[tilespmem:s2], [sflag:$0x1] =	stream.linear.gather [hbm4b:s7+s2], $0x2710, $0x38;
	[tilespmem:$0x17318] =	vst v63  }
0x15: {  	_ =	swait.ge [sflag:s5], $0x2710  }
0x16: {  	[sflag:s5] =	ssyncset.done $0x0  }
0x17: {  	[sflag:s5] =	ssyncadd.s32 $0xFFFFD8F0  }
0x18: {  	[tilespmem:s8], [sflag:$0x1] =	stream.linear.gather [hbm4b:s6+s2], $0x13880, $0x38;
	[tilespmem:$0x17318] =	vst v63  }
0x19: {  	_ =	swait.ge [sflag:s5], $0x13880  }
0x1a: {  	[sflag:s5] =	ssyncset.done $0x0  }
0x1b: {  	[sflag:s5] =	ssyncadd.s32 $0xFFFEC780  }
0x1c: {  	[spmem:s1] =	stream.indirect.scatter.add.f32 [tilespmem:s8], [sflag:$0x1], $0x8, s2, s8, $0xb8;
	[tilespmem:$0x17318] =	vst v63  }
0x1d: {  	s12 =	sadd.s32 $0xFFFFFFFF, s12;
	_ =	swait.ge [sflag:s5], $0x13880  }
0x1e: {  	p2 =	sne.s32 s12, $0x0;
	[sflag:s5] =	ssyncset.done $0x0  }
.Ltmp1:
0x1f: {  	[sflag:s5] =	ssyncadd.s32 $0xFFFEC780;
	(pc) =	sbr.rel @!p2 .LBB2_3-.Ltmp1, $4  }
0x20: {  	[bflag:$0x0] =	sbarrier.arrive $0xFFFF  }
0x21: {  	[hbm:s3], [sflag:s11] =	dma.local @!p0 [spmem:s4], $0x2710  }
0x22: {  	_ =	swait.ge @!p0 [sflag:s10], $0x2710  }
0x23: {  	p1 =	por $0x1, $0x1;
	[sflag:s10] =	ssyncset.done @!p0 $0x0  }
.LBB2_2:
0x24: {  	[sflag:s10] =	ssyncadd.s32 @!p0 $0xFFFFD8F0  }
0x25: {  	[spmem:s4], [sflag:s11] =	dma.local @!p0 [hbm:s9], $0x2710  }
0x26: {  	s12 =	sadd.s32 $0xFFFFFFFF, s12;
	_ =	swait.ge @!p0 [sflag:s10], $0x2710  }
0x27: {  	p2 =	sne.s32 s12, $0x0;
	[sflag:s10] =	ssyncset.done @!p0 $0x0  }
0x28: {  	[sflag:s10] =	ssyncadd.s32 @!p0 $0xFFFFD8F0  }
0x29: {  	[bflag:$0x0] =	sbarrier.arrive $0xFFFF  }
0x2a: {  	[tilespmem:s2], [sflag:$0x1] =	stream.linear.gather [hbm4b:s7+s2], $0x2710, $0x38;
	[tilespmem:$0x17318] =	vst v63  }
0x2b: {  	_ =	swait.ge [sflag:s5], $0x2710  }
0x2c: {  	[sflag:s5] =	ssyncset.done $0x0  }
0x2d: {  	[sflag:s5] =	ssyncadd.s32 $0xFFFFD8F0  }
0x2e: {  	[tilespmem:s8], [sflag:$0x1] =	stream.linear.gather [hbm4b:s6+s2], $0x13880, $0x38;
	[tilespmem:$0x17318] =	vst v63  }
0x2f: {  	_ =	swait.ge [sflag:s5], $0x13880  }
0x30: {  	[sflag:s5] =	ssyncset.done $0x0  }
0x31: {  	[sflag:s5] =	ssyncadd.s32 $0xFFFEC780  }
0x32: {  	[spmem:s1] =	stream.indirect.scatter.add.f32 [tilespmem:s8], [sflag:$0x1], $0x8, s2, s8, $0xb8;
	[tilespmem:$0x17318] =	vst v63  }
0x33: {  	_ =	swait.ge [sflag:s5], $0x13880  }
0x34: {  	[sflag:s5] =	ssyncset.done $0x0  }
.Ltmp2:
0x35: {  	[sflag:s5] =	ssyncadd.s32 $0xFFFEC780;
	(pc) =	sbr.rel @p2 .LBB2_2-.Ltmp2, $4  }
0x36: {  	[bflag:$0x0] =	sbarrier.arrive $0xFFFF  }
0x37: {  	[hbm:s3], [sflag:s11] =	dma.local @!p0 [spmem:s4], $0x2710  }
0x38: {  	_ =	swait.ge @!p0 [sflag:s10], $0x2710  }
0x39: {  	[sflag:s10] =	ssyncset.done @!p0 $0x0  }
.LBB2_3:
0x3a: {  	p1 =	por p0, !p1  }
0x3b: {  	s11 =	simm.s32 @!p0 $0x1C01;
	s12 =	simm.s32 @!p0 $0x1;
	[sflag:s10] =	ssyncadd.s32 @!p1 $0xFFFFD8F0  }
0x3c: {  	[spmem:s4], [sflag:s11] =	dma.local @!p0 [hbm:s9], $0x2710  }
0x3d: {  	_ =	swait.ge @!p0 [sflag:s12], $0x2710  }
0x3e: {  	[sflag:s12] =	ssyncset.done @!p0 $0x0  }
0x3f: {  	[sflag:s12] =	ssyncadd.s32 @!p0 $0xFFFFD8F0  }
0x40: {  	[bflag:$0x0] =	sbarrier.arrive $0xFFFF  }
0x41: {  	[tilespmem:s2], [sflag:$0x1] =	stream.linear.gather [hbm4b:s7+s2], $0x2710, $0x38;
	[tilespmem:$0x17318] =	vst v63  }
0x42: {  	_ =	swait.ge [sflag:s5], $0x2710  }
0x43: {  	[sflag:s5] =	ssyncset.done $0x0  }
0x44: {  	[sflag:s5] =	ssyncadd.s32 $0xFFFFD8F0  }
0x45: {  	[tilespmem:s8], [sflag:$0x1] =	stream.linear.gather [hbm4b:s6+s2], $0x13880, $0x38;
	[tilespmem:$0x17318] =	vst v63  }
0x46: {  	_ =	swait.ge [sflag:s5], $0x13880  }
0x47: {  	[sflag:s5] =	ssyncset.done $0x0  }
0x48: {  	[sflag:s5] =	ssyncadd.s32 $0xFFFEC780  }
0x49: {  	[spmem:s1] =	stream.indirect.scatter.add.f32 [tilespmem:s8], [sflag:$0x1], $0x8, s2, s8, $0xb8;
	[tilespmem:$0x17318] =	vst v63  }
0x4a: {  	_ =	swait.ge [sflag:s5], $0x13880  }
0x4b: {  	[sflag:s5] =	ssyncset.done $0x0  }
0x4c: {  	[sflag:s5] =	ssyncadd.s32 $0xFFFEC780  }
0x4d: {  	[bflag:$0x0] =	sbarrier.arrive $0xFFFF  }
0x4e: {  	[hbm:s3], [sflag:s11] =	dma.local @!p0 [spmem:s4], $0x2710  }
0x4f: {  	_ =	swait.ge @!p0 [sflag:s12], $0x2710  }
0x50: {  	[sflag:s12] =	ssyncset.done @!p0 $0x0  }
0x51: {  	[sflag:s12] =	ssyncadd.s32 @!p0 $0xFFFFD8F0  }
0x52: {  	_ =	sfence.sel $0x180000  }
0x53: {  	[bflag:$0x0] =	sbarrier.arrive $0xFFFF  }
0x54: {  	_ =	strace $0x90000056  }
0x55: {  	s0 =	sadd.s32 @!p0 $0x100000, s0;
	[bflag:$0x2] =	sbarrier.arrive $0xFFFF  }
0x56: {  	[sflag:s0] =	ssyncadd.tile.s32 @!p0 $0x1;
	_ =	shalt  }
.Lfunc_end2:
_tile_overlayer_lowered:
.L_overlay_start_2:
0x57: {  	(tag) =	ssettag $0x2  }
0x58: {  	s0 =	rddreg [dreg:$0x0];
	s2 =	stileid.u32  }
0x59: {  	s1 =	rddreg [dreg:$0x1];
	p0 =	sne.s32 s2, $0x0  }
0x5a: {  	s3 =	rddreg [dreg:$0x2];
	[bflag:$0x3] =	sbarrier.arrive $0xFFFF;
	s2 =	simm.s32 @!p0 $0x1C01  }
0x5b: {  	[timem:s3], [sflag:s2] =	dma.local @!p0 [hbm:s0], s1  }
0x5c: {  	s0 =	simm.s32 @!p0 $0x1  }
0x5d: {  	_ =	swait.ge @!p0 [sflag:s0], s1  }
0x5e: {  	s1 =	ssub.s32 @!p0 $0x0, s1;
	[sflag:s0] =	ssyncset.done @!p0 $0x0  }
0x5f: {  	[sflag:s0] =	ssyncadd.s32 @!p0 s1  }
0x60: {  	[bflag:$0x3] =	sbarrier.arrive $0xFFFF  }
0x61: {  	_ =	shalt  }

</sc_bundles>
